<compile_context>
chip_gen: v7x
topology: tpu7x:2x2x1
jax: 0.10.2.dev20260603
libtpu: 0.0.44.dev20260713+nightly
codegen_flags: <defaults>
</compile_context>

<pallas_src>
import functools

import jax
import jax.numpy as jnp
import numpy as np
from jax import lax
from jax.experimental import pallas as pl
from jax.experimental.pallas import tpu as pltpu
from jax.experimental.pallas import tpu_sc as plsc

D = 640
N = 100000
Q = 1024
KTOP = 3
NLAB = 12
NLAYER = 3
RATIO = 0.2

BN = 2048
NBLK = (N + BN - 1) // BN
RQ = 128
NEG = float("-inf")


def _bdot(a, b):
    return jnp.dot(a, b, preferred_element_type=jnp.float32)


def _round_bf16(a):
    return a.astype(jnp.bfloat16).astype(jnp.float32)



def _search_body(q_ref, db_ref, ts_ref, ti_ref, qn_ref, f_ref, c_ref):
    i = pl.program_id(0)

    @pl.when(i == 0)
    def _init():
        q = q_ref[...]
        nrm = jnp.sqrt(jnp.sum(q * q, axis=1, keepdims=True))
        qn_ref[...] = q / nrm
        f_ref[...] = jnp.full((KTOP, Q, 128), NEG, jnp.float32)
        c_ref[...] = jnp.zeros((KTOP, Q, 128), jnp.int32)

    db = db_ref[...]
    qn = qn_ref[...]
    lane = lax.broadcasted_iota(jnp.int32, (Q, 128), 1)
    base = i * BN
    s = lax.dot_general(qn, db, (((1,), (1,)), ((), ())),
                        preferred_element_type=jnp.float32)

    f1 = f_ref[0]
    f2 = f_ref[1]
    f3 = f_ref[2]
    c1 = c_ref[0]
    c2 = c_ref[1]
    c3 = c_ref[2]
    for g in range(BN // 128):
        v = s[:, g * 128:(g + 1) * 128]
        gb = base + g * 128
        v = jnp.where(lane < (N - gb), v, NEG)
        cc = lane + gb
        gt1 = v > f1
        gt2 = v > f2
        gt3 = v > f3
        nf3 = jnp.where(gt2, f2, jnp.where(gt3, v, f3))
        nc3 = jnp.where(gt2, c2, jnp.where(gt3, cc, c3))
        nf2 = jnp.where(gt1, f1, jnp.where(gt2, v, f2))
        nc2 = jnp.where(gt1, c1, jnp.where(gt2, cc, c2))
        nf1 = jnp.where(gt1, v, f1)
        nc1 = jnp.where(gt1, cc, c1)
        f1, f2, f3, c1, c2, c3 = nf1, nf2, nf3, nc1, nc2, nc3
    f_ref[0] = f1
    f_ref[1] = f2
    f_ref[2] = f3
    c_ref[0] = c1
    c_ref[1] = c2
    c_ref[2] = c3

    @pl.when(i == NBLK - 1)
    def _last():
        ff1, ff2, ff3 = f1, f2, f3
        cc1, cc2, cc3 = c1, c2, c3
        for t in range(KTOP):
            m = jnp.max(ff1, axis=1, keepdims=True)
            c = jnp.min(jnp.where(ff1 == m, cc1, jnp.int32(2**30)),
                        axis=1, keepdims=True)
            ts_ref[:, t:t + 1] = m
            ti_ref[:, t:t + 1] = c
            if t < KTOP - 1:
                hit = cc1 == c
                ff1 = jnp.where(hit, ff2, ff1)
                cc1 = jnp.where(hit, cc2, cc1)
                ff2 = jnp.where(hit, ff3, ff2)
                cc2 = jnp.where(hit, cc3, cc2)
                ff3 = jnp.where(hit, NEG, ff3)


def _search(queries, db_wt, interpret=False):
    return pl.pallas_call(
        _search_body,
        grid=(NBLK,),
        in_specs=[
            pl.BlockSpec((Q, D), lambda i: (0, 0)),
            pl.BlockSpec((BN, D), lambda i: (i, 0)),
        ],
        out_specs=[
            pl.BlockSpec((Q, KTOP), lambda i: (0, 0)),
            pl.BlockSpec((Q, KTOP), lambda i: (0, 0)),
        ],
        out_shape=[
            jax.ShapeDtypeStruct((Q, KTOP), jnp.float32),
            jax.ShapeDtypeStruct((Q, KTOP), jnp.int32),
        ],
        scratch_shapes=[
            pltpu.VMEM((Q, D), jnp.float32),
            pltpu.VMEM((KTOP, Q, 128), jnp.float32),
            pltpu.VMEM((KTOP, Q, 128), jnp.int32),
        ],
        compiler_params=pltpu.CompilerParams(
            dimension_semantics=("arbitrary",)),
        interpret=interpret,
    )(queries, db_wt)



def _gather(db_t, db_label, idx_flat):
    info = plsc.get_sparse_core_info()
    nw = info.num_cores * info.num_subcores
    b = Q * KTOP
    bpw = b // nw
    mesh = plsc.VectorSubcoreMesh(core_axis_name="c", subcore_axis_name="s")

    @functools.partial(
        pl.kernel, mesh=mesh,
        out_type=[jax.ShapeDtypeStruct((b, D), jnp.float32),
                  jax.ShapeDtypeStruct((b,), jnp.int32)],
        scratch_types=[pltpu.VMEM((bpw,), jnp.int32),
                       pltpu.VMEM((bpw, D), jnp.float32),
                       pltpu.VMEM((bpw,), jnp.int32),
                       pltpu.SemaphoreType.DMA],
    )
    def gk(table_hbm, lbl_hbm, idx_hbm, seq_out, lbl_out, idx_v, rows_v, lv, sem):
        wid = lax.axis_index("s") * info.num_cores + lax.axis_index("c")
        base = wid * bpw
        pltpu.sync_copy(idx_hbm.at[pl.ds(base, bpw)], idx_v)
        pltpu.async_copy(table_hbm.at[idx_v], rows_v, sem).wait()
        pltpu.sync_copy(rows_v, seq_out.at[pl.ds(base, bpw)])
        pltpu.async_copy(lbl_hbm.at[idx_v], lv, sem).wait()
        pltpu.sync_copy(lv, lbl_out.at[pl.ds(base, bpw)])

    return gk(db_t, db_label, idx_flat)



def _mea_body(seq_ref, q_ref, sc_ref, lb_ref, wq_ref, wk_ref, wv_ref, wo_ref,
              bq_ref, bk_ref, bv_ref, bo_ref, dw_ref, dbias_ref, ow_ref,
              ob_ref, o_ref):
    r = KTOP * RQ
    qb = q_ref[...]
    sc = sc_ref[...]
    lb = lb_ref[...]
    diota = lax.broadcasted_iota(jnp.int32, (KTOP, RQ, D), 2)
    cls3 = jnp.where(lb == diota, 1.0, 0.0) * sc
    h0 = cls3.reshape(r, D)
    h1 = jnp.concatenate([qb, qb, qb], axis=0)
    h2 = seq_ref[...].reshape(r, D)
    scale = 1.0 / np.sqrt(D // 8)
    x = jnp.concatenate([h0, h1, h2], axis=0)
    for i in range(NLAYER):
        last = i == NLAYER - 1
        bo = bo_ref[i][None, :]
        xs = [x[t * r:(t + 1) * r, :] for t in range(3)]
        qs = [_bdot(xs[t], wq_ref[i]) + bq_ref[i][None, :]
              for t in range(1 if last else 3)]
        ks = [_round_bf16(_bdot(xs[t], wk_ref[i]) + bk_ref[i][None, :])
              for t in range(3)]
        vs = [_round_bf16(_bdot(xs[t], wv_ref[i]) + bv_ref[i][None, :])
              for t in range(3)]
        hn = []
        for ti in range(1 if last else 3):
            qr = _round_bf16(qs[ti])
            a = [jnp.sum(qr * ks[tj], axis=1, keepdims=True) * scale
                 for tj in range(3)]
            m = jnp.maximum(jnp.maximum(a[0], a[1]), a[2])
            e = [jnp.exp(v - m) for v in a]
            den = e[0] + e[1] + e[2]
            w = [_round_bf16(v / den) for v in e]
            attn = w[0] * vs[0] + w[1] * vs[1] + w[2] * vs[2]
            hn.append(attn)
        att_x = hn[0] if last else jnp.concatenate(hn, axis=0)
        x = _bdot(att_x, wo_ref[i]) + bo
    x = jnp.tanh(_bdot(x, dw_ref[...]) + dbias_ref[...][None, :])
    lg = _bdot(x, ow_ref[...]) + ob_ref[...][None, :]
    mea = jnp.mean(lg.reshape(KTOP, RQ, NLAB), axis=0)
    liota = lax.broadcasted_iota(jnp.int32, (KTOP, RQ, NLAB), 2)
    agg = jnp.sum(jnp.where(lb == liota, 1.0, 0.0), axis=0)
    ret = agg / jnp.sum(agg, axis=1, keepdims=True)
    o_ref[...] = mea * (1.0 - RATIO) + ret * RATIO


def _mea(seqs3, queries, ts_j, lb_j, WQ, WK, WV, WO, bQ, bK, bV, bO,
         dense_w, dense_b, out_w, out_b, interpret=False):
    nblk = Q // RQ
    return pl.pallas_call(
        _mea_body,
        grid=(nblk,),
        in_specs=[
            pl.BlockSpec((KTOP, RQ, D), lambda s: (0, s, 0)),
            pl.BlockSpec((RQ, D), lambda s: (s, 0)),
            pl.BlockSpec((KTOP, RQ, 1), lambda s: (0, s, 0)),
            pl.BlockSpec((KTOP, RQ, 1), lambda s: (0, s, 0)),
            pl.BlockSpec((NLAYER, D, D), lambda s: (0, 0, 0)),
            pl.BlockSpec((NLAYER, D, D), lambda s: (0, 0, 0)),
            pl.BlockSpec((NLAYER, D, D), lambda s: (0, 0, 0)),
            pl.BlockSpec((NLAYER, D, D), lambda s: (0, 0, 0)),
            pl.BlockSpec((NLAYER, D), lambda s: (0, 0)),
            pl.BlockSpec((NLAYER, D), lambda s: (0, 0)),
            pl.BlockSpec((NLAYER, D), lambda s: (0, 0)),
            pl.BlockSpec((NLAYER, D), lambda s: (0, 0)),
            pl.BlockSpec((D, D), lambda s: (0, 0)),
            pl.BlockSpec((D,), lambda s: (0,)),
            pl.BlockSpec((D, NLAB), lambda s: (0, 0)),
            pl.BlockSpec((NLAB,), lambda s: (0,)),
        ],
        out_specs=pl.BlockSpec((RQ, NLAB), lambda s: (s, 0)),
        out_shape=jax.ShapeDtypeStruct((Q, NLAB), jnp.float32),
        compiler_params=pltpu.CompilerParams(
            dimension_semantics=("arbitrary",)),
        interpret=interpret,
    )(seqs3, queries, ts_j, lb_j, WQ, WK, WV, WO, bQ, bK, bV, bO,
      dense_w, dense_b, out_w, out_b)



def kernel(queries, db_weight, db_label, WQ, WK, WV, WO, bQ, bK, bV, bO,
           dense_w, dense_b, out_w, out_b):
    db_wt = db_weight.T
    ts, ti = _search(queries, db_wt)
    idx_jm = ti.T.reshape(-1)
    seqs, lbls = _gather(db_wt, db_label, idx_jm)
    seqs3 = seqs.reshape(KTOP, Q, D)
    ts_j = ts.T[:, :, None]
    lb_j = lbls.reshape(KTOP, Q)[:, :, None]
    return _mea(seqs3, queries, ts_j, lb_j, WQ, WK, WV, WO, bQ, bK, bV, bO,
                dense_w, dense_b, out_w, out_b)

# --- scband reference (transcript-rebuilt; emitter-appended) ---
"""Pipeline reference for scband-model-12678743458478 (READ-ONLY COPY).

The authoritative reference and input builder live on the scoring server;
editing this copy changes nothing except your own understanding.
"""

import jax, jax.numpy as jnp
import numpy as np

EMBED_DIM = 640
NUM_HEADS = 8
NUM_LAYERS = 3
NUM_LABELS = 12
K_TOP = 3
RATIO = 0.2
N_DB = 100000
Q_BATCH = 1024


def setup_inputs(seed: int = 0) -> dict:
    key = jax.random.key(seed)
    ks = jax.random.split(key, 18)
    queries = jax.random.normal(ks[0], (Q_BATCH, EMBED_DIM), dtype=jnp.float32)
    # SearchLayer database: initial_weight[:, :-1] row-normalized then transposed -> [d, N]
    raw = jax.random.normal(ks[1], (N_DB, EMBED_DIM), dtype=jnp.float32)
    w = raw / jnp.linalg.norm(raw, axis=-1, keepdims=True)
    db_weight = w.T
    db_label = jax.random.randint(ks[2], (N_DB,), 0, NUM_LABELS).astype(jnp.int32)
    s = 1.0 / np.sqrt(EMBED_DIM)
    WQ = jax.random.normal(ks[3], (NUM_LAYERS, EMBED_DIM, EMBED_DIM), dtype=jnp.float32) * s
    WK = jax.random.normal(ks[4], (NUM_LAYERS, EMBED_DIM, EMBED_DIM), dtype=jnp.float32) * s
    WV = jax.random.normal(ks[5], (NUM_LAYERS, EMBED_DIM, EMBED_DIM), dtype=jnp.float32) * s
    WO = jax.random.normal(ks[6], (NUM_LAYERS, EMBED_DIM, EMBED_DIM), dtype=jnp.float32) * s
    bQ = jax.random.normal(ks[7], (NUM_LAYERS, EMBED_DIM), dtype=jnp.float32) * 0.01
    bK = jax.random.normal(ks[8], (NUM_LAYERS, EMBED_DIM), dtype=jnp.float32) * 0.01
    bV = jax.random.normal(ks[9], (NUM_LAYERS, EMBED_DIM), dtype=jnp.float32) * 0.01
    bO = jax.random.normal(ks[10], (NUM_LAYERS, EMBED_DIM), dtype=jnp.float32) * 0.01
    dense_w = jax.random.normal(ks[11], (EMBED_DIM, EMBED_DIM), dtype=jnp.float32) * s
    dense_b = jax.random.normal(ks[12], (EMBED_DIM,), dtype=jnp.float32) * 0.01
    out_w = jax.random.normal(ks[13], (EMBED_DIM, NUM_LABELS), dtype=jnp.float32) * s
    out_b = jax.random.normal(ks[14], (NUM_LABELS,), dtype=jnp.float32) * 0.01
    return {"queries": queries, "db_weight": db_weight, "db_label": db_label,
            "WQ": WQ, "WK": WK, "WV": WV, "WO": WO,
            "bQ": bQ, "bK": bK, "bV": bV, "bO": bO,
            "dense_w": dense_w, "dense_b": dense_b, "out_w": out_w, "out_b": out_b}


def reference(queries, db_weight, db_label, WQ, WK, WV, WO, bQ, bK, bV, bO, dense_w, dense_b, out_w, out_b):
    # SearchLayer: cosine-sim knn retrieval
    qn = queries / jnp.linalg.norm(queries, axis=-1, keepdims=True)
    sims = qn @ db_weight                         # [Q, N]
    top_scores, top_idx = jax.lax.top_k(sims, K_TOP)   # [Q, k]
    top_labels = jnp.take(db_label, top_idx, axis=0)   # [Q, k]
    top_seqs = jnp.take(db_weight.T, top_idx.reshape(-1), axis=0)  # [Q*k, d]
    # Build H_cxr = [CLS, H_x, H_r]
    H_r = top_seqs[:, None, :]
    H_x = jnp.repeat(queries, K_TOP, axis=0)[:, None, :]
    cls = jax.nn.one_hot(top_labels.astype(jnp.int32), EMBED_DIM, dtype=jnp.float32).reshape(-1, 1, EMBED_DIM)
    cls = cls * top_scores.reshape(-1, 1, 1)
    H = jnp.concatenate([cls, H_x, H_r], axis=1)   # [Q*k, 3, d]
    d_k = EMBED_DIM // NUM_HEADS
    for i in range(NUM_LAYERS):
        Qm = H @ WQ[i] + bQ[i]
        Km = H @ WK[i] + bK[i]
        att = jnp.matmul(Qm, jnp.swapaxes(Km, -2, -1)) / np.sqrt(d_k)
        A = jax.nn.softmax(att, axis=-1)
        Hx = H[:, :2, :]
        Hr = H[:, 2:, :]
        Vx = Hx @ WV[i] + bV[i]
        Vr = Hr @ WV[i] + bV[i]
        attn = jnp.matmul(A[:, :, :2], Vx) + jnp.matmul(A[:, :, 2:], Vr)
        H = attn @ WO[i] + bO[i]
    # MEAClassificationHead
    x = H[:, 0, :]
    x = jnp.tanh(x @ dense_w + dense_b)
    x = x @ out_w + out_b
    logits = x.reshape(-1, K_TOP, NUM_LABELS).mean(axis=1)
    # retrieval logits from neighbor labels
    oh = jax.nn.one_hot(top_labels.astype(jnp.int32), NUM_LABELS, dtype=jnp.float32)
    agg = oh.sum(axis=1)
    ret = agg / agg.sum(axis=-1, keepdims=True)
    return logits * (1.0 - RATIO) + ret * RATIO

if __name__ == "__main__":
    import jax
    _d = setup_inputs()
    print(jax.jit(kernel)(*tuple(_d.values())))

</pallas_src>

<mosaic_0001>
#map = affine_map<(d0, d1) -> (0, 0)>
#map1 = affine_map<(d0, d1) -> (0)>
module attributes {stable_mosaic.version = 14 : i64} {
  func.func @gk(%arg0: i32, %arg1: i32, %arg2: memref<100000x640xf32, #tpu.memory_space<hbm>>, %arg3: memref<100000xi32, #tpu.memory_space<hbm>>, %arg4: memref<3072xi32, #tpu.memory_space<hbm>>, %arg5: memref<3072x640xf32, #tpu.memory_space<hbm>>, %arg6: memref<3072xi32, #tpu.memory_space<hbm>>, %arg7: memref<96xi32, #tpu.memory_space<vmem>>, %arg8: memref<96x640xf32, #tpu.memory_space<vmem>>, %arg9: memref<96xi32, #tpu.memory_space<vmem>>, %arg10: memref<!tpu.dma_semaphore, #tpu.memory_space<semaphore_mem>>) attributes {dimension_semantics = [#tpu.dimension_semantics<core_parallel>, #tpu.dimension_semantics<subcore_parallel>], iteration_bounds = array<i64: 2, 16>, scalar_prefetch = 0 : i64, scratch_operands = 4 : i64, tpu.core_type = #tpu.core_type<sc_vector_subcore>, window_params = [{transform_indices = #map}, {transform_indices = #map1}, {transform_indices = #map1}, {transform_indices = #map}, {transform_indices = #map1}]} {
    %mul3A = arith.constant 2 : i32
    %mul3A_0 = arith.muli %arg1, %mul3A : i32
    %add3A = arith.addi %mul3A_0, %arg0 : i32
    %mul3A_1 = arith.constant 96 : i32
    %mul3A_2 = arith.muli %add3A, %mul3A_1 : i32
    "tpu.region"() ({
      %run_scoped3A = tpu.sem_alloc : memref<!tpu.dma_semaphore, #tpu.memory_space<semaphore_mem>>
      %dma_start3A_11 = tpu.memref_slice %arg4[%mul3A_2] : memref<3072xi32, #tpu.memory_space<hbm>> -> memref<96xi32, #tpu.memory_space<hbm>>
      %dma_start3A_12 = tpu.memref_slice %arg4[%mul3A_2] : memref<3072xi32, #tpu.memory_space<hbm>> -> memref<96xi32, #tpu.memory_space<hbm>>
      tpu.enqueue_dma source(%dma_start3A_12 : memref<96xi32, #tpu.memory_space<hbm>>) target(%arg7 : memref<96xi32, #tpu.memory_space<vmem>>) target_semaphore(%run_scoped3A : memref<!tpu.dma_semaphore, #tpu.memory_space<semaphore_mem>>)
      %dma_wait3A_13 = tpu.memref_slice %arg4[%mul3A_2] : memref<3072xi32, #tpu.memory_space<hbm>> -> memref<96xi32, #tpu.memory_space<hbm>>
      %dma_wait3A_14 = tpu.memref_slice %arg4[%mul3A_2] : memref<3072xi32, #tpu.memory_space<hbm>> -> memref<96xi32, #tpu.memory_space<hbm>>
      tpu.wait_dma2 semaphore(%run_scoped3A : memref<!tpu.dma_semaphore, #tpu.memory_space<semaphore_mem>>) src(%dma_wait3A_14 : memref<96xi32, #tpu.memory_space<hbm>>) dst(%arg7 : memref<96xi32, #tpu.memory_space<vmem>>)
      tpu.yield
    }) : () -> ()
    %dma_start3A = arith.constant 0 : i32
    %dma_start3A_3 = arith.constant 0 : i32
    %dma_start3A_4 = tpu.memref_slice %arg2[%dma_start3A, %dma_start3A_3] : memref<100000x640xf32, #tpu.memory_space<hbm>> -> memref<100000x640xf32, #tpu.memory_space<hbm>>
    tpu.enqueue_indirect_dma source(%dma_start3A_4 : memref<100000x640xf32, #tpu.memory_space<hbm>>) target(%arg8 : memref<96x640xf32, #tpu.memory_space<vmem>>) offsets(%arg7 : memref<96xi32, #tpu.memory_space<vmem>>) semaphore(%arg10 : memref<!tpu.dma_semaphore, #tpu.memory_space<semaphore_mem>>)
    %dma_wait3A = arith.constant 0 : i32
    %dma_wait3A_5 = arith.constant 0 : i32
    %dma_wait3A_6 = tpu.memref_slice %arg2[%dma_wait3A, %dma_wait3A_5] : memref<100000x640xf32, #tpu.memory_space<hbm>> -> memref<100000x640xf32, #tpu.memory_space<hbm>>
    tpu.wait_indirect_dma semaphore(%arg10 : memref<!tpu.dma_semaphore, #tpu.memory_space<semaphore_mem>>) src(%dma_wait3A_6 : memref<100000x640xf32, #tpu.memory_space<hbm>>) dst(%arg8 : memref<96x640xf32, #tpu.memory_space<vmem>>)
    "tpu.region"() ({
      %run_scoped3A = tpu.sem_alloc : memref<!tpu.dma_semaphore, #tpu.memory_space<semaphore_mem>>
      %dma_start3A_11 = arith.constant 0 : i32
      %dma_start3A_12 = tpu.memref_slice %arg5[%mul3A_2, %dma_start3A_11] : memref<3072x640xf32, #tpu.memory_space<hbm>> -> memref<96x640xf32, #tpu.memory_space<hbm>>
      %dma_start3A_13 = arith.constant 0 : i32
      %dma_start3A_14 = tpu.memref_slice %arg5[%mul3A_2, %dma_start3A_13] : memref<3072x640xf32, #tpu.memory_space<hbm>> -> memref<96x640xf32, #tpu.memory_space<hbm>>
      tpu.enqueue_dma source(%arg8 : memref<96x640xf32, #tpu.memory_space<vmem>>) target(%dma_start3A_14 : memref<96x640xf32, #tpu.memory_space<hbm>>) target_semaphore(%run_scoped3A : memref<!tpu.dma_semaphore, #tpu.memory_space<semaphore_mem>>)
      %dma_wait3A_15 = arith.constant 0 : i32
      %dma_wait3A_16 = tpu.memref_slice %arg5[%mul3A_2, %dma_wait3A_15] : memref<3072x640xf32, #tpu.memory_space<hbm>> -> memref<96x640xf32, #tpu.memory_space<hbm>>
      %dma_wait3A_17 = arith.constant 0 : i32
      %dma_wait3A_18 = tpu.memref_slice %arg5[%mul3A_2, %dma_wait3A_17] : memref<3072x640xf32, #tpu.memory_space<hbm>> -> memref<96x640xf32, #tpu.memory_space<hbm>>
      tpu.wait_dma2 semaphore(%run_scoped3A : memref<!tpu.dma_semaphore, #tpu.memory_space<semaphore_mem>>) src(%arg8 : memref<96x640xf32, #tpu.memory_space<vmem>>) dst(%dma_wait3A_18 : memref<96x640xf32, #tpu.memory_space<hbm>>)
      tpu.yield
    }) : () -> ()
    %dma_start3A_7 = arith.constant 0 : i32
    %dma_start3A_8 = tpu.memref_slice %arg3[%dma_start3A_7] : memref<100000xi32, #tpu.memory_space<hbm>> -> memref<100000xi32, #tpu.memory_space<hbm>>
    tpu.enqueue_indirect_dma source(%dma_start3A_8 : memref<100000xi32, #tpu.memory_space<hbm>>) target(%arg9 : memref<96xi32, #tpu.memory_space<vmem>>) offsets(%arg7 : memref<96xi32, #tpu.memory_space<vmem>>) semaphore(%arg10 : memref<!tpu.dma_semaphore, #tpu.memory_space<semaphore_mem>>)
    %dma_wait3A_9 = arith.constant 0 : i32
    %dma_wait3A_10 = tpu.memref_slice %arg3[%dma_wait3A_9] : memref<100000xi32, #tpu.memory_space<hbm>> -> memref<100000xi32, #tpu.memory_space<hbm>>
    tpu.wait_indirect_dma semaphore(%arg10 : memref<!tpu.dma_semaphore, #tpu.memory_space<semaphore_mem>>) src(%dma_wait3A_10 : memref<100000xi32, #tpu.memory_space<hbm>>) dst(%arg9 : memref<96xi32, #tpu.memory_space<vmem>>)
    "tpu.region"() ({
      %run_scoped3A = tpu.sem_alloc : memref<!tpu.dma_semaphore, #tpu.memory_space<semaphore_mem>>
      %dma_start3A_11 = tpu.memref_slice %arg6[%mul3A_2] : memref<3072xi32, #tpu.memory_space<hbm>> -> memref<96xi32, #tpu.memory_space<hbm>>
      %dma_start3A_12 = tpu.memref_slice %arg6[%mul3A_2] : memref<3072xi32, #tpu.memory_space<hbm>> -> memref<96xi32, #tpu.memory_space<hbm>>
      tpu.enqueue_dma source(%arg9 : memref<96xi32, #tpu.memory_space<vmem>>) target(%dma_start3A_12 : memref<96xi32, #tpu.memory_space<hbm>>) target_semaphore(%run_scoped3A : memref<!tpu.dma_semaphore, #tpu.memory_space<semaphore_mem>>)
      %dma_wait3A_13 = tpu.memref_slice %arg6[%mul3A_2] : memref<3072xi32, #tpu.memory_space<hbm>> -> memref<96xi32, #tpu.memory_space<hbm>>
      %dma_wait3A_14 = tpu.memref_slice %arg6[%mul3A_2] : memref<3072xi32, #tpu.memory_space<hbm>> -> memref<96xi32, #tpu.memory_space<hbm>>
      tpu.wait_dma2 semaphore(%run_scoped3A : memref<!tpu.dma_semaphore, #tpu.memory_space<semaphore_mem>>) src(%arg9 : memref<96xi32, #tpu.memory_space<vmem>>) dst(%dma_wait3A_14 : memref<96xi32, #tpu.memory_space<hbm>>)
      tpu.yield
    }) : () -> ()
    return
  }
}

module attributes {stable_mosaic.version = 14 : i64} {
  func.func @_search_body(%arg0: i32, %arg1: memref<1024x640xf32, #tpu.memory_space<vmem>>, %arg2: memref<2048x640xf32, #tpu.memory_space<vmem>>, %arg3: memref<1024x3xf32, #tpu.memory_space<vmem>>, %arg4: memref<1024x3xi32, #tpu.memory_space<vmem>>, %arg5: memref<1024x640xf32, #tpu.memory_space<vmem>>, %arg6: memref<3x1024x128xf32, #tpu.memory_space<vmem>>, %arg7: memref<3x1024x128xi32, #tpu.memory_space<vmem>>) attributes {dimension_semantics = [#tpu.dimension_semantics<arbitrary>], iteration_bounds = array<i64: 49>, scalar_prefetch = 0 : i64, scratch_operands = 3 : i64, tpu.core_type = #tpu.core_type<tc>, window_params = [{pipeline_mode = #tpu.pipeline_mode<synchronous>, transform_indices = @transform_0, window_bounds = array<i64: 1024, 640>}, {transform_indices = @transform_1, window_bounds = array<i64: 2048, 640>}, {pipeline_mode = #tpu.pipeline_mode<synchronous>, transform_indices = @transform_2, window_bounds = array<i64: 1024, 3>}, {pipeline_mode = #tpu.pipeline_mode<synchronous>, transform_indices = @transform_3, window_bounds = array<i64: 1024, 3>}]} {
    %eq3A = arith.constant 0 : i32
    %eq3A_0 = arith.cmpi eq, %arg0, %eq3A : i32
    %convert_element_type3A = arith.extui %eq3A_0 : i1 to i32
    %cond3A = arith.constant 0 : i32
    %cond3A_1 = arith.cmpi ne, %convert_element_type3A, %cond3A : i32
    scf.if %cond3A_1 {
      %get3A_471 = arith.constant 0 : index
      %get3A_472 = arith.constant 0 : index
      %get3A_473 = vector.load %arg1[%get3A_471, %get3A_472] : memref<1024x640xf32, #tpu.memory_space<vmem>>, vector<1024x640xf32>
      %mul3A_474 = arith.mulf %get3A_473, %get3A_473 : vector<1024x640xf32>
      %reduce_sum3A = arith.constant dense<0.000000e+00> : vector<1024xf32>
      %reduce_sum3A_475 = vector.multi_reduction <add>, %mul3A_474, %reduce_sum3A [1] : vector<1024x640xf32> to vector<1024xf32>
      %broadcast_in_dim3A_476 = vector.shape_cast %reduce_sum3A_475 : vector<1024xf32> to vector<1024x1xf32>
      %sqrt3A = math.sqrt %broadcast_in_dim3A_476 : vector<1024x1xf32>
      %div3A = vector.broadcast %sqrt3A : vector<1024x1xf32> to vector<1024x640xf32>
      %div3A_477 = arith.divf %get3A_473, %div3A : vector<1024x640xf32>
      %swap3A_478 = arith.constant 0 : index
      %swap3A_479 = arith.constant 0 : index
      %swap3A_480 = vector.load %arg5[%swap3A_478, %swap3A_479] : memref<1024x640xf32, #tpu.memory_space<vmem>>, vector<1024x640xf32>
      tpu.vector_store %arg5[%swap3A_478, %swap3A_479], %div3A_477 {strides = array<i32>} : memref<1024x640xf32, #tpu.memory_space<vmem>>, vector<1024x640xf32>,
      %broadcast_in_dim3A_481 = arith.constant 0xFF800000 : f32
      %broadcast_in_dim3A_482 = vector.broadcast %broadcast_in_dim3A_481 : f32 to vector<3x1024x128xf32>
      %swap3A_483 = arith.constant 0 : index
      %swap3A_484 = arith.constant 0 : index
      %swap3A_485 = arith.constant 0 : index
      %swap3A_486 = vector.load %arg6[%swap3A_483, %swap3A_484, %swap3A_485] : memref<3x1024x128xf32, #tpu.memory_space<vmem>>, vector<3x1024x128xf32>
      tpu.vector_store %arg6[%swap3A_483, %swap3A_484, %swap3A_485], %broadcast_in_dim3A_482 {strides = array<i32>} : memref<3x1024x128xf32, #tpu.memory_space<vmem>>, vector<3x1024x128xf32>,
      %broadcast_in_dim3A_487 = arith.constant 0 : i32
      %broadcast_in_dim3A_488 = vector.broadcast %broadcast_in_dim3A_487 : i32 to vector<3x1024x128xi32>
      %swap3A_489 = arith.constant 0 : index
      %swap3A_490 = arith.constant 0 : index
      %swap3A_491 = arith.constant 0 : index
      %swap3A_492 = vector.load %arg7[%swap3A_489, %swap3A_490, %swap3A_491] : memref<3x1024x128xi32, #tpu.memory_space<vmem>>, vector<3x1024x128xi32>
      tpu.vector_store %arg7[%swap3A_489, %swap3A_490, %swap3A_491], %broadcast_in_dim3A_488 {strides = array<i32>} : memref<3x1024x128xi32, #tpu.memory_space<vmem>>, vector<3x1024x128xi32>,
    } else {
    }
    %get3A = arith.constant 0 : index
    %get3A_2 = arith.constant 0 : index
    %get3A_3 = vector.load %arg2[%get3A, %get3A_2] : memref<2048x640xf32, #tpu.memory_space<vmem>>, vector<2048x640xf32>
    %get3A_4 = arith.constant 0 : index
    %get3A_5 = arith.constant 0 : index
    %get3A_6 = vector.load %arg5[%get3A_4, %get3A_5] : memref<1024x640xf32, #tpu.memory_space<vmem>>, vector<1024x640xf32>
    %iota3A = tpu.iota {dimensions = array<i32: 1>} : vector<1024x128xi32>
    %mul3A = arith.constant 2048 : i32
    %mul3A_7 = arith.muli %arg0, %mul3A : i32
    %dot_general3A = arith.constant dense<0.000000e+00> : vector<1024x2048xf32>
    %dot_general3A_8 = tpu.matmul %get3A_6, %get3A_3, %dot_general3A {dimension_numbers = #tpu.dot_dimension_numbers<[1], [1], [0], [0], [0, 0, 1, 0], [], []>, transpose_lhs_hint = false} : vector<1024x640xf32>, vector<2048x640xf32>, vector<1024x2048xf32> -> vector<1024x2048xf32>
    %get3A_9 = arith.constant 0 : index
    %get3A_10 = arith.constant 0 : index
    %get3A_11 = arith.constant 0 : index
    %get3A_12 = vector.load %arg6[%get3A_9, %get3A_10, %get3A_11] : memref<3x1024x128xf32, #tpu.memory_space<vmem>>, vector<1x1024x128xf32>
    %get3A_13 = vector.shape_cast %get3A_12 : vector<1x1024x128xf32> to vector<1024x128xf32>
    %get3A_14 = arith.constant 1 : index
    %get3A_15 = arith.constant 0 : index
    %get3A_16 = arith.constant 0 : index
    %get3A_17 = vector.load %arg6[%get3A_14, %get3A_15, %get3A_16] : memref<3x1024x128xf32, #tpu.memory_space<vmem>>, vector<1x1024x128xf32>
    %get3A_18 = vector.shape_cast %get3A_17 : vector<1x1024x128xf32> to vector<1024x128xf32>
    %get3A_19 = arith.constant 2 : index
    %get3A_20 = arith.constant 0 : index
    %get3A_21 = arith.constant 0 : index
    %get3A_22 = vector.load %arg6[%get3A_19, %get3A_20, %get3A_21] : memref<3x1024x128xf32, #tpu.memory_space<vmem>>, vector<1x1024x128xf32>
    %get3A_23 = vector.shape_cast %get3A_22 : vector<1x1024x128xf32> to vector<1024x128xf32>
    %get3A_24 = arith.constant 0 : index
    %get3A_25 = arith.constant 0 : index
    %get3A_26 = arith.constant 0 : index
    %get3A_27 = vector.load %arg7[%get3A_24, %get3A_25, %get3A_26] : memref<3x1024x128xi32, #tpu.memory_space<vmem>>, vector<1x1024x128xi32>
    %get3A_28 = vector.shape_cast %get3A_27 : vector<1x1024x128xi32> to vector<1024x128xi32>
    %get3A_29 = arith.constant 1 : index
    %get3A_30 = arith.constant 0 : index
    %get3A_31 = arith.constant 0 : index
    %get3A_32 = vector.load %arg7[%get3A_29, %get3A_30, %get3A_31] : memref<3x1024x128xi32, #tpu.memory_space<vmem>>, vector<1x1024x128xi32>
    %get3A_33 = vector.shape_cast %get3A_32 : vector<1x1024x128xi32> to vector<1024x128xi32>
    %get3A_34 = arith.constant 2 : index
    %get3A_35 = arith.constant 0 : index
    %get3A_36 = arith.constant 0 : index
    %get3A_37 = vector.load %arg7[%get3A_34, %get3A_35, %get3A_36] : memref<3x1024x128xi32, #tpu.memory_space<vmem>>, vector<1x1024x128xi32>
    %get3A_38 = vector.shape_cast %get3A_37 : vector<1x1024x128xi32> to vector<1024x128xi32>
    %slice3A = vector.extract_strided_slice %dot_general3A_8 {offsets = [0, 0], sizes = [1024, 128], strides = [1, 1]} : vector<1024x2048xf32> to vector<1024x128xf32>
    %add3A = arith.constant 0 : i32
    %add3A_39 = arith.addi %mul3A_7, %add3A : i32
    %sub3A = arith.constant 100000 : i32
    %sub3A_40 = arith.subi %sub3A, %add3A_39 : i32
    %lt3A = vector.broadcast %sub3A_40 : i32 to vector<1024x128xi32>
    %lt3A_41 = arith.cmpi slt, %iota3A, %lt3A : vector<1024x128xi32>
    %jit3A = arith.constant 0xFF800000 : f32
    %broadcast_in_dim3A = vector.broadcast %jit3A : f32 to vector<1024x128xf32>
    %select_n3A = arith.select %lt3A_41, %slice3A, %broadcast_in_dim3A : vector<1024x128xi1>, vector<1024x128xf32>
    %add3A_42 = vector.broadcast %add3A_39 : i32 to vector<1024x128xi32>
    %add3A_43 = arith.addi %iota3A, %add3A_42 : vector<1024x128xi32>
    %gt3A = arith.cmpf ogt, %select_n3A, %get3A_13 : vector<1024x128xf32>
    %gt3A_44 = arith.cmpf ogt, %select_n3A, %get3A_18 : vector<1024x128xf32>
    %gt3A_45 = arith.cmpf ogt, %select_n3A, %get3A_23 : vector<1024x128xf32>
    %select_n3A_46 = arith.select %gt3A_45, %select_n3A, %get3A_23 : vector<1024x128xi1>, vector<1024x128xf32>
    %select_n3A_47 = arith.select %gt3A_44, %get3A_18, %select_n3A_46 : vector<1024x128xi1>, vector<1024x128xf32>
    %select_n3A_48 = arith.select %gt3A_45, %add3A_43, %get3A_38 : vector<1024x128xi1>, vector<1024x128xi32>
    %select_n3A_49 = arith.select %gt3A_44, %get3A_33, %select_n3A_48 : vector<1024x128xi1>, vector<1024x128xi32>
    %select_n3A_50 = arith.select %gt3A_44, %select_n3A, %get3A_18 : vector<1024x128xi1>, vector<1024x128xf32>
    %select_n3A_51 = arith.select %gt3A, %get3A_13, %select_n3A_50 : vector<1024x128xi1>, vector<1024x128xf32>
    %select_n3A_52 = arith.select %gt3A_44, %add3A_43, %get3A_33 : vector<1024x128xi1>, vector<1024x128xi32>
    %select_n3A_53 = arith.select %gt3A, %get3A_28, %select_n3A_52 : vector<1024x128xi1>, vector<1024x128xi32>
    %select_n3A_54 = arith.select %gt3A, %select_n3A, %get3A_13 : vector<1024x128xi1>, vector<1024x128xf32>
    %select_n3A_55 = arith.select %gt3A, %add3A_43, %get3A_28 : vector<1024x128xi1>, vector<1024x128xi32>
    %slice3A_56 = vector.extract_strided_slice %dot_general3A_8 {offsets = [0, 128], sizes = [1024, 128], strides = [1, 1]} : vector<1024x2048xf32> to vector<1024x128xf32>
    %add3A_57 = arith.constant 128 : i32
    %add3A_58 = arith.addi %mul3A_7, %add3A_57 : i32
    %sub3A_59 = arith.constant 100000 : i32
    %sub3A_60 = arith.subi %sub3A_59, %add3A_58 : i32
    %lt3A_61 = vector.broadcast %sub3A_60 : i32 to vector<1024x128xi32>
    %lt3A_62 = arith.cmpi slt, %iota3A, %lt3A_61 : vector<1024x128xi32>
    %jit3A_63 = arith.constant 0xFF800000 : f32
    %broadcast_in_dim3A_64 = vector.broadcast %jit3A_63 : f32 to vector<1024x128xf32>
    %select_n3A_65 = arith.select %lt3A_62, %slice3A_56, %broadcast_in_dim3A_64 : vector<1024x128xi1>, vector<1024x128xf32>
    %add3A_66 = vector.broadcast %add3A_58 : i32 to vector<1024x128xi32>
    %add3A_67 = arith.addi %iota3A, %add3A_66 : vector<1024x128xi32>
    %gt3A_68 = arith.cmpf ogt, %select_n3A_65, %select_n3A_54 : vector<1024x128xf32>
    %gt3A_69 = arith.cmpf ogt, %select_n3A_65, %select_n3A_51 : vector<1024x128xf32>
    %gt3A_70 = arith.cmpf ogt, %select_n3A_65, %select_n3A_47 : vector<1024x128xf32>
    %select_n3A_71 = arith.select %gt3A_70, %select_n3A_65, %select_n3A_47 : vector<1024x128xi1>, vector<1024x128xf32>
    %select_n3A_72 = arith.select %gt3A_69, %select_n3A_51, %select_n3A_71 : vector<1024x128xi1>, vector<1024x128xf32>
    %select_n3A_73 = arith.select %gt3A_70, %add3A_67, %select_n3A_49 : vector<1024x128xi1>, vector<1024x128xi32>
    %select_n3A_74 = arith.select %gt3A_69, %select_n3A_53, %select_n3A_73 : vector<1024x128xi1>, vector<1024x128xi32>
    %select_n3A_75 = arith.select %gt3A_69, %select_n3A_65, %select_n3A_51 : vector<1024x128xi1>, vector<1024x128xf32>
    %select_n3A_76 = arith.select %gt3A_68, %select_n3A_54, %select_n3A_75 : vector<1024x128xi1>, vector<1024x128xf32>
    %select_n3A_77 = arith.select %gt3A_69, %add3A_67, %select_n3A_53 : vector<1024x128xi1>, vector<1024x128xi32>
    %select_n3A_78 = arith.select %gt3A_68, %select_n3A_55, %select_n3A_77 : vector<1024x128xi1>, vector<1024x128xi32>
    %select_n3A_79 = arith.select %gt3A_68, %select_n3A_65, %select_n3A_54 : vector<1024x128xi1>, vector<1024x128xf32>
    %select_n3A_80 = arith.select %gt3A_68, %add3A_67, %select_n3A_55 : vector<1024x128xi1>, vector<1024x128xi32>
    %slice3A_81 = vector.extract_strided_slice %dot_general3A_8 {offsets = [0, 256], sizes = [1024, 128], strides = [1, 1]} : vector<1024x2048xf32> to vector<1024x128xf32>
    %add3A_82 = arith.constant 256 : i32
    %add3A_83 = arith.addi %mul3A_7, %add3A_82 : i32
    %sub3A_84 = arith.constant 100000 : i32
    %sub3A_85 = arith.subi %sub3A_84, %add3A_83 : i32
    %lt3A_86 = vector.broadcast %sub3A_85 : i32 to vector<1024x128xi32>
    %lt3A_87 = arith.cmpi slt, %iota3A, %lt3A_86 : vector<1024x128xi32>
    %jit3A_88 = arith.constant 0xFF800000 : f32
    %broadcast_in_dim3A_89 = vector.broadcast %jit3A_88 : f32 to vector<1024x128xf32>
    %select_n3A_90 = arith.select %lt3A_87, %slice3A_81, %broadcast_in_dim3A_89 : vector<1024x128xi1>, vector<1024x128xf32>
    %add3A_91 = vector.broadcast %add3A_83 : i32 to vector<1024x128xi32>
    %add3A_92 = arith.addi %iota3A, %add3A_91 : vector<1024x128xi32>
    %gt3A_93 = arith.cmpf ogt, %select_n3A_90, %select_n3A_79 : vector<1024x128xf32>
    %gt3A_94 = arith.cmpf ogt, %select_n3A_90, %select_n3A_76 : vector<1024x128xf32>
    %gt3A_95 = arith.cmpf ogt, %select_n3A_90, %select_n3A_72 : vector<1024x128xf32>
    %select_n3A_96 = arith.select %gt3A_95, %select_n3A_90, %select_n3A_72 : vector<1024x128xi1>, vector<1024x128xf32>
    %select_n3A_97 = arith.select %gt3A_94, %select_n3A_76, %select_n3A_96 : vector<1024x128xi1>, vector<1024x128xf32>
    %select_n3A_98 = arith.select %gt3A_95, %add3A_92, %select_n3A_74 : vector<1024x128xi1>, vector<1024x128xi32>
    %select_n3A_99 = arith.select %gt3A_94, %select_n3A_78, %select_n3A_98 : vector<1024x128xi1>, vector<1024x128xi32>
    %select_n3A_100 = arith.select %gt3A_94, %select_n3A_90, %select_n3A_76 : vector<1024x128xi1>, vector<1024x128xf32>
    %select_n3A_101 = arith.select %gt3A_93, %select_n3A_79, %select_n3A_100 : vector<1024x128xi1>, vector<1024x128xf32>
    %select_n3A_102 = arith.select %gt3A_94, %add3A_92, %select_n3A_78 : vector<1024x128xi1>, vector<1024x128xi32>
    %select_n3A_103 = arith.select %gt3A_93, %select_n3A_80, %select_n3A_102 : vector<1024x128xi1>, vector<1024x128xi32>
    %select_n3A_104 = arith.select %gt3A_93, %select_n3A_90, %select_n3A_79 : vector<1024x128xi1>, vector<1024x128xf32>
    %select_n3A_105 = arith.select %gt3A_93, %add3A_92, %select_n3A_80 : vector<1024x128xi1>, vector<1024x128xi32>
    %slice3A_106 = vector.extract_strided_slice %dot_general3A_8 {offsets = [0, 384], sizes = [1024, 128], strides = [1, 1]} : vector<1024x2048xf32> to vector<1024x128xf32>
    %add3A_107 = arith.constant 384 : i32
    %add3A_108 = arith.addi %mul3A_7, %add3A_107 : i32
    %sub3A_109 = arith.constant 100000 : i32
    %sub3A_110 = arith.subi %sub3A_109, %add3A_108 : i32
    %lt3A_111 = vector.broadcast %sub3A_110 : i32 to vector<1024x128xi32>
    %lt3A_112 = arith.cmpi slt, %iota3A, %lt3A_111 : vector<1024x128xi32>
    %jit3A_113 = arith.constant 0xFF800000 : f32
    %broadcast_in_dim3A_114 = vector.broadcast %jit3A_113 : f32 to vector<1024x128xf32>
    %select_n3A_115 = arith.select %lt3A_112, %slice3A_106, %broadcast_in_dim3A_114 : vector<1024x128xi1>, vector<1024x128xf32>
    %add3A_116 = vector.broadcast %add3A_108 : i32 to vector<1024x128xi32>
    %add3A_117 = arith.addi %iota3A, %add3A_116 : vector<1024x128xi32>
    %gt3A_118 = arith.cmpf ogt, %select_n3A_115, %select_n3A_104 : vector<1024x128xf32>
    %gt3A_119 = arith.cmpf ogt, %select_n3A_115, %select_n3A_101 : vector<1024x128xf32>
    %gt3A_120 = arith.cmpf ogt, %select_n3A_115, %select_n3A_97 : vector<1024x128xf32>
    %select_n3A_121 = arith.select %gt3A_120, %select_n3A_115, %select_n3A_97 : vector<1024x128xi1>, vector<1024x128xf32>
    %select_n3A_122 = arith.select %gt3A_119, %select_n3A_101, %select_n3A_121 : vector<1024x128xi1>, vector<1024x128xf32>
    %select_n3A_123 = arith.select %gt3A_120, %add3A_117, %select_n3A_99 : vector<1024x128xi1>, vector<1024x128xi32>
    %select_n3A_124 = arith.select %gt3A_119, %select_n3A_103, %select_n3A_123 : vector<1024x128xi1>, vector<1024x128xi32>
    %select_n3A_125 = arith.select %gt3A_119, %select_n3A_115, %select_n3A_101 : vector<1024x128xi1>, vector<1024x128xf32>
    %select_n3A_126 = arith.select %gt3A_118, %select_n3A_104, %select_n3A_125 : vector<1024x128xi1>, vector<1024x128xf32>
    %select_n3A_127 = arith.select %gt3A_119, %add3A_117, %select_n3A_103 : vector<1024x128xi1>, vector<1024x128xi32>
    %select_n3A_128 = arith.select %gt3A_118, %select_n3A_105, %select_n3A_127 : vector<1024x128xi1>, vector<1024x128xi32>
    %select_n3A_129 = arith.select %gt3A_118, %select_n3A_115, %select_n3A_104 : vector<1024x128xi1>, vector<1024x128xf32>
    %select_n3A_130 = arith.select %gt3A_118, %add3A_117, %select_n3A_105 : vector<1024x128xi1>, vector<1024x128xi32>
    %slice3A_131 = vector.extract_strided_slice %dot_general3A_8 {offsets = [0, 512], sizes = [1024, 128], strides = [1, 1]} : vector<1024x2048xf32> to vector<1024x128xf32>
    %add3A_132 = arith.constant 512 : i32
    %add3A_133 = arith.addi %mul3A_7, %add3A_132 : i32
    %sub3A_134 = arith.constant 100000 : i32
    %sub3A_135 = arith.subi %sub3A_134, %add3A_133 : i32
    %lt3A_136 = vector.broadcast %sub3A_135 : i32 to vector<1024x128xi32>
    %lt3A_137 = arith.cmpi slt, %iota3A, %lt3A_136 : vector<1024x128xi32>
    %jit3A_138 = arith.constant 0xFF800000 : f32
    %broadcast_in_dim3A_139 = vector.broadcast %jit3A_138 : f32 to vector<1024x128xf32>
    %select_n3A_140 = arith.select %lt3A_137, %slice3A_131, %broadcast_in_dim3A_139 : vector<1024x128xi1>, vector<1024x128xf32>
    %add3A_141 = vector.broadcast %add3A_133 : i32 to vector<1024x128xi32>
    %add3A_142 = arith.addi %iota3A, %add3A_141 : vector<1024x128xi32>
    %gt3A_143 = arith.cmpf ogt, %select_n3A_140, %select_n3A_129 : vector<1024x128xf32>
    %gt3A_144 = arith.cmpf ogt, %select_n3A_140, %select_n3A_126 : vector<1024x128xf32>
    %gt3A_145 = arith.cmpf ogt, %select_n3A_140, %select_n3A_122 : vector<1024x128xf32>
    %select_n3A_146 = arith.select %gt3A_145, %select_n3A_140, %select_n3A_122 : vector<1024x128xi1>, vector<1024x128xf32>
    %select_n3A_147 = arith.select %gt3A_144, %select_n3A_126, %select_n3A_146 : vector<1024x128xi1>, vector<1024x128xf32>
    %select_n3A_148 = arith.select %gt3A_145, %add3A_142, %select_n3A_124 : vector<1024x128xi1>, vector<1024x128xi32>
    %select_n3A_149 = arith.select %gt3A_144, %select_n3A_128, %select_n3A_148 : vector<1024x128xi1>, vector<1024x128xi32>
    %select_n3A_150 = arith.select %gt3A_144, %select_n3A_140, %select_n3A_126 : vector<1024x128xi1>, vector<1024x128xf32>
    %select_n3A_151 = arith.select %gt3A_143, %select_n3A_129, %select_n3A_150 : vector<1024x128xi1>, vector<1024x128xf32>
    %select_n3A_152 = arith.select %gt3A_144, %add3A_142, %select_n3A_128 : vector<1024x128xi1>, vector<1024x128xi32>
    %select_n3A_153 = arith.select %gt3A_143, %select_n3A_130, %select_n3A_152 : vector<1024x128xi1>, vector<1024x128xi32>
    %select_n3A_154 = arith.select %gt3A_143, %select_n3A_140, %select_n3A_129 : vector<1024x128xi1>, vector<1024x128xf32>
    %select_n3A_155 = arith.select %gt3A_143, %add3A_142, %select_n3A_130 : vector<1024x128xi1>, vector<1024x128xi32>
    %slice3A_156 = vector.extract_strided_slice %dot_general3A_8 {offsets = [0, 640], sizes = [1024, 128], strides = [1, 1]} : vector<1024x2048xf32> to vector<1024x128xf32>
    %add3A_157 = arith.constant 640 : i32
    %add3A_158 = arith.addi %mul3A_7, %add3A_157 : i32
    %sub3A_159 = arith.constant 100000 : i32
    %sub3A_160 = arith.subi %sub3A_159, %add3A_158 : i32
    %lt3A_161 = vector.broadcast %sub3A_160 : i32 to vector<1024x128xi32>
    %lt3A_162 = arith.cmpi slt, %iota3A, %lt3A_161 : vector<1024x128xi32>
    %jit3A_163 = arith.constant 0xFF800000 : f32
    %broadcast_in_dim3A_164 = vector.broadcast %jit3A_163 : f32 to vector<1024x128xf32>
    %select_n3A_165 = arith.select %lt3A_162, %slice3A_156, %broadcast_in_dim3A_164 : vector<1024x128xi1>, vector<1024x128xf32>
    %add3A_166 = vector.broadcast %add3A_158 : i32 to vector<1024x128xi32>
    %add3A_167 = arith.addi %iota3A, %add3A_166 : vector<1024x128xi32>
    %gt3A_168 = arith.cmpf ogt, %select_n3A_165, %select_n3A_154 : vector<1024x128xf32>
    %gt3A_169 = arith.cmpf ogt, %select_n3A_165, %select_n3A_151 : vector<1024x128xf32>
    %gt3A_170 = arith.cmpf ogt, %select_n3A_165, %select_n3A_147 : vector<1024x128xf32>
    %select_n3A_171 = arith.select %gt3A_170, %select_n3A_165, %select_n3A_147 : vector<1024x128xi1>, vector<1024x128xf32>
    %select_n3A_172 = arith.select %gt3A_169, %select_n3A_151, %select_n3A_171 : vector<1024x128xi1>, vector<1024x128xf32>
    %select_n3A_173 = arith.select %gt3A_170, %add3A_167, %select_n3A_149 : vector<1024x128xi1>, vector<1024x128xi32>
    %select_n3A_174 = arith.select %gt3A_169, %select_n3A_153, %select_n3A_173 : vector<1024x128xi1>, vector<1024x128xi32>
    %select_n3A_175 = arith.select %gt3A_169, %select_n3A_165, %select_n3A_151 : vector<1024x128xi1>, vector<1024x128xf32>
    %select_n3A_176 = arith.select %gt3A_168, %select_n3A_154, %select_n3A_175 : vector<1024x128xi1>, vector<1024x128xf32>
    %select_n3A_177 = arith.select %gt3A_169, %add3A_167, %select_n3A_153 : vector<1024x128xi1>, vector<1024x128xi32>
    %select_n3A_178 = arith.select %gt3A_168, %select_n3A_155, %select_n3A_177 : vector<1024x128xi1>, vector<1024x128xi32>
    %select_n3A_179 = arith.select %gt3A_168, %select_n3A_165, %select_n3A_154 : vector<1024x128xi1>, vector<1024x128xf32>
    %select_n3A_180 = arith.select %gt3A_168, %add3A_167, %select_n3A_155 : vector<1024x128xi1>, vector<1024x128xi32>
    %slice3A_181 = vector.extract_strided_slice %dot_general3A_8 {offsets = [0, 768], sizes = [1024, 128], strides = [1, 1]} : vector<1024x2048xf32> to vector<1024x128xf32>
    %add3A_182 = arith.constant 768 : i32
    %add3A_183 = arith.addi %mul3A_7, %add3A_182 : i32
    %sub3A_184 = arith.constant 100000 : i32
    %sub3A_185 = arith.subi %sub3A_184, %add3A_183 : i32
    %lt3A_186 = vector.broadcast %sub3A_185 : i32 to vector<1024x128xi32>
    %lt3A_187 = arith.cmpi slt, %iota3A, %lt3A_186 : vector<1024x128xi32>
    %jit3A_188 = arith.constant 0xFF800000 : f32
    %broadcast_in_dim3A_189 = vector.broadcast %jit3A_188 : f32 to vector<1024x128xf32>
    %select_n3A_190 = arith.select %lt3A_187, %slice3A_181, %broadcast_in_dim3A_189 : vector<1024x128xi1>, vector<1024x128xf32>
    %add3A_191 = vector.broadcast %add3A_183 : i32 to vector<1024x128xi32>
    %add3A_192 = arith.addi %iota3A, %add3A_191 : vector<1024x128xi32>
    %gt3A_193 = arith.cmpf ogt, %select_n3A_190, %select_n3A_179 : vector<1024x128xf32>
    %gt3A_194 = arith.cmpf ogt, %select_n3A_190, %select_n3A_176 : vector<1024x128xf32>
    %gt3A_195 = arith.cmpf ogt, %select_n3A_190, %select_n3A_172 : vector<1024x128xf32>
    %select_n3A_196 = arith.select %gt3A_195, %select_n3A_190, %select_n3A_172 : vector<1024x128xi1>, vector<1024x128xf32>
    %select_n3A_197 = arith.select %gt3A_194, %select_n3A_176, %select_n3A_196 : vector<1024x128xi1>, vector<1024x128xf32>
    %select_n3A_198 = arith.select %gt3A_195, %add3A_192, %select_n3A_174 : vector<1024x128xi1>, vector<1024x128xi32>
    %select_n3A_199 = arith.select %gt3A_194, %select_n3A_178, %select_n3A_198 : vector<1024x128xi1>, vector<1024x128xi32>
    %select_n3A_200 = arith.select %gt3A_194, %select_n3A_190, %select_n3A_176 : vector<1024x128xi1>, vector<1024x128xf32>
    %select_n3A_201 = arith.select %gt3A_193, %select_n3A_179, %select_n3A_200 : vector<1024x128xi1>, vector<1024x128xf32>
    %select_n3A_202 = arith.select %gt3A_194, %add3A_192, %select_n3A_178 : vector<1024x128xi1>, vector<1024x128xi32>
    %select_n3A_203 = arith.select %gt3A_193, %select_n3A_180, %select_n3A_202 : vector<1024x128xi1>, vector<1024x128xi32>
    %select_n3A_204 = arith.select %gt3A_193, %select_n3A_190, %select_n3A_179 : vector<1024x128xi1>, vector<1024x128xf32>
    %select_n3A_205 = arith.select %gt3A_193, %add3A_192, %select_n3A_180 : vector<1024x128xi1>, vector<1024x128xi32>
    %slice3A_206 = vector.extract_strided_slice %dot_general3A_8 {offsets = [0, 896], sizes = [1024, 128], strides = [1, 1]} : vector<1024x2048xf32> to vector<1024x128xf32>
    %add3A_207 = arith.constant 896 : i32
    %add3A_208 = arith.addi %mul3A_7, %add3A_207 : i32
    %sub3A_209 = arith.constant 100000 : i32
    %sub3A_210 = arith.subi %sub3A_209, %add3A_208 : i32
    %lt3A_211 = vector.broadcast %sub3A_210 : i32 to vector<1024x128xi32>
    %lt3A_212 = arith.cmpi slt, %iota3A, %lt3A_211 : vector<1024x128xi32>
    %jit3A_213 = arith.constant 0xFF800000 : f32
    %broadcast_in_dim3A_214 = vector.broadcast %jit3A_213 : f32 to vector<1024x128xf32>
    %select_n3A_215 = arith.select %lt3A_212, %slice3A_206, %broadcast_in_dim3A_214 : vector<1024x128xi1>, vector<1024x128xf32>
    %add3A_216 = vector.broadcast %add3A_208 : i32 to vector<1024x128xi32>
    %add3A_217 = arith.addi %iota3A, %add3A_216 : vector<1024x128xi32>
    %gt3A_218 = arith.cmpf ogt, %select_n3A_215, %select_n3A_204 : vector<1024x128xf32>
    %gt3A_219 = arith.cmpf ogt, %select_n3A_215, %select_n3A_201 : vector<1024x128xf32>
    %gt3A_220 = arith.cmpf ogt, %select_n3A_215, %select_n3A_197 : vector<1024x128xf32>
    %select_n3A_221 = arith.select %gt3A_220, %select_n3A_215, %select_n3A_197 : vector<1024x128xi1>, vector<1024x128xf32>
    %select_n3A_222 = arith.select %gt3A_219, %select_n3A_201, %select_n3A_221 : vector<1024x128xi1>, vector<1024x128xf32>
    %select_n3A_223 = arith.select %gt3A_220, %add3A_217, %select_n3A_199 : vector<1024x128xi1>, vector<1024x128xi32>
    %select_n3A_224 = arith.select %gt3A_219, %select_n3A_203, %select_n3A_223 : vector<1024x128xi1>, vector<1024x128xi32>
    %select_n3A_225 = arith.select %gt3A_219, %select_n3A_215, %select_n3A_201 : vector<1024x128xi1>, vector<1024x128xf32>
    %select_n3A_226 = arith.select %gt3A_218, %select_n3A_204, %select_n3A_225 : vector<1024x128xi1>, vector<1024x128xf32>
    %select_n3A_227 = arith.select %gt3A_219, %add3A_217, %select_n3A_203 : vector<1024x128xi1>, vector<1024x128xi32>
    %select_n3A_228 = arith.select %gt3A_218, %select_n3A_205, %select_n3A_227 : vector<1024x128xi1>, vector<1024x128xi32>
    %select_n3A_229 = arith.select %gt3A_218, %select_n3A_215, %select_n3A_204 : vector<1024x128xi1>, vector<1024x128xf32>
    %select_n3A_230 = arith.select %gt3A_218, %add3A_217, %select_n3A_205 : vector<1024x128xi1>, vector<1024x128xi32>
    %slice3A_231 = vector.extract_strided_slice %dot_general3A_8 {offsets = [0, 1024], sizes = [1024, 128], strides = [1, 1]} : vector<1024x2048xf32> to vector<1024x128xf32>
    %add3A_232 = arith.constant 1024 : i32
    %add3A_233 = arith.addi %mul3A_7, %add3A_232 : i32
    %sub3A_234 = arith.constant 100000 : i32
    %sub3A_235 = arith.subi %sub3A_234, %add3A_233 : i32
    %lt3A_236 = vector.broadcast %sub3A_235 : i32 to vector<1024x128xi32>
    %lt3A_237 = arith.cmpi slt, %iota3A, %lt3A_236 : vector<1024x128xi32>
    %jit3A_238 = arith.constant 0xFF800000 : f32
    %broadcast_in_dim3A_239 = vector.broadcast %jit3A_238 : f32 to vector<1024x128xf32>
    %select_n3A_240 = arith.select %lt3A_237, %slice3A_231, %broadcast_in_dim3A_239 : vector<1024x128xi1>, vector<1024x128xf32>
    %add3A_241 = vector.broadcast %add3A_233 : i32 to vector<1024x128xi32>
    %add3A_242 = arith.addi %iota3A, %add3A_241 : vector<1024x128xi32>
    %gt3A_243 = arith.cmpf ogt, %select_n3A_240, %select_n3A_229 : vector<1024x128xf32>
    %gt3A_244 = arith.cmpf ogt, %select_n3A_240, %select_n3A_226 : vector<1024x128xf32>
    %gt3A_245 = arith.cmpf ogt, %select_n3A_240, %select_n3A_222 : vector<1024x128xf32>
    %select_n3A_246 = arith.select %gt3A_245, %select_n3A_240, %select_n3A_222 : vector<1024x128xi1>, vector<1024x128xf32>
    %select_n3A_247 = arith.select %gt3A_244, %select_n3A_226, %select_n3A_246 : vector<1024x128xi1>, vector<1024x128xf32>
    %select_n3A_248 = arith.select %gt3A_245, %add3A_242, %select_n3A_224 : vector<1024x128xi1>, vector<1024x128xi32>
    %select_n3A_249 = arith.select %gt3A_244, %select_n3A_228, %select_n3A_248 : vector<1024x128xi1>, vector<1024x128xi32>
    %select_n3A_250 = arith.select %gt3A_244, %select_n3A_240, %select_n3A_226 : vector<1024x128xi1>, vector<1024x128xf32>
    %select_n3A_251 = arith.select %gt3A_243, %select_n3A_229, %select_n3A_250 : vector<1024x128xi1>, vector<1024x128xf32>
    %select_n3A_252 = arith.select %gt3A_244, %add3A_242, %select_n3A_228 : vector<1024x128xi1>, vector<1024x128xi32>
    %select_n3A_253 = arith.select %gt3A_243, %select_n3A_230, %select_n3A_252 : vector<1024x128xi1>, vector<1024x128xi32>
    %select_n3A_254 = arith.select %gt3A_243, %select_n3A_240, %select_n3A_229 : vector<1024x128xi1>, vector<1024x128xf32>
    %select_n3A_255 = arith.select %gt3A_243, %add3A_242, %select_n3A_230 : vector<1024x128xi1>, vector<1024x128xi32>
    %slice3A_256 = vector.extract_strided_slice %dot_general3A_8 {offsets = [0, 1152], sizes = [1024, 128], strides = [1, 1]} : vector<1024x2048xf32> to vector<1024x128xf32>
    %add3A_257 = arith.constant 1152 : i32
    %add3A_258 = arith.addi %mul3A_7, %add3A_257 : i32
    %sub3A_259 = arith.constant 100000 : i32
    %sub3A_260 = arith.subi %sub3A_259, %add3A_258 : i32
    %lt3A_261 = vector.broadcast %sub3A_260 : i32 to vector<1024x128xi32>
    %lt3A_262 = arith.cmpi slt, %iota3A, %lt3A_261 : vector<1024x128xi32>
    %jit3A_263 = arith.constant 0xFF800000 : f32
    %broadcast_in_dim3A_264 = vector.broadcast %jit3A_263 : f32 to vector<1024x128xf32>
    %select_n3A_265 = arith.select %lt3A_262, %slice3A_256, %broadcast_in_dim3A_264 : vector<1024x128xi1>, vector<1024x128xf32>
    %add3A_266 = vector.broadcast %add3A_258 : i32 to vector<1024x128xi32>
    %add3A_267 = arith.addi %iota3A, %add3A_266 : vector<1024x128xi32>
    %gt3A_268 = arith.cmpf ogt, %select_n3A_265, %select_n3A_254 : vector<1024x128xf32>
    %gt3A_269 = arith.cmpf ogt, %select_n3A_265, %select_n3A_251 : vector<1024x128xf32>
    %gt3A_270 = arith.cmpf ogt, %select_n3A_265, %select_n3A_247 : vector<1024x128xf32>
    %select_n3A_271 = arith.select %gt3A_270, %select_n3A_265, %select_n3A_247 : vector<1024x128xi1>, vector<1024x128xf32>
    %select_n3A_272 = arith.select %gt3A_269, %select_n3A_251, %select_n3A_271 : vector<1024x128xi1>, vector<1024x128xf32>
    %select_n3A_273 = arith.select %gt3A_270, %add3A_267, %select_n3A_249 : vector<1024x128xi1>, vector<1024x128xi32>
    %select_n3A_274 = arith.select %gt3A_269, %select_n3A_253, %select_n3A_273 : vector<1024x128xi1>, vector<1024x128xi32>
    %select_n3A_275 = arith.select %gt3A_269, %select_n3A_265, %select_n3A_251 : vector<1024x128xi1>, vector<1024x128xf32>
    %select_n3A_276 = arith.select %gt3A_268, %select_n3A_254, %select_n3A_275 : vector<1024x128xi1>, vector<1024x128xf32>
    %select_n3A_277 = arith.select %gt3A_269, %add3A_267, %select_n3A_253 : vector<1024x128xi1>, vector<1024x128xi32>
    %select_n3A_278 = arith.select %gt3A_268, %select_n3A_255, %select_n3A_277 : vector<1024x128xi1>, vector<1024x128xi32>
    %select_n3A_279 = arith.select %gt3A_268, %select_n3A_265, %select_n3A_254 : vector<1024x128xi1>, vector<1024x128xf32>
    %select_n3A_280 = arith.select %gt3A_268, %add3A_267, %select_n3A_255 : vector<1024x128xi1>, vector<1024x128xi32>
    %slice3A_281 = vector.extract_strided_slice %dot_general3A_8 {offsets = [0, 1280], sizes = [1024, 128], strides = [1, 1]} : vector<1024x2048xf32> to vector<1024x128xf32>
    %add3A_282 = arith.constant 1280 : i32
    %add3A_283 = arith.addi %mul3A_7, %add3A_282 : i32
    %sub3A_284 = arith.constant 100000 : i32
    %sub3A_285 = arith.subi %sub3A_284, %add3A_283 : i32
    %lt3A_286 = vector.broadcast %sub3A_285 : i32 to vector<1024x128xi32>
    %lt3A_287 = arith.cmpi slt, %iota3A, %lt3A_286 : vector<1024x128xi32>
    %jit3A_288 = arith.constant 0xFF800000 : f32
    %broadcast_in_dim3A_289 = vector.broadcast %jit3A_288 : f32 to vector<1024x128xf32>
    %select_n3A_290 = arith.select %lt3A_287, %slice3A_281, %broadcast_in_dim3A_289 : vector<1024x128xi1>, vector<1024x128xf32>
    %add3A_291 = vector.broadcast %add3A_283 : i32 to vector<1024x128xi32>
    %add3A_292 = arith.addi %iota3A, %add3A_291 : vector<1024x128xi32>
    %gt3A_293 = arith.cmpf ogt, %select_n3A_290, %select_n3A_279 : vector<1024x128xf32>
    %gt3A_294 = arith.cmpf ogt, %select_n3A_290, %select_n3A_276 : vector<1024x128xf32>
    %gt3A_295 = arith.cmpf ogt, %select_n3A_290, %select_n3A_272 : vector<1024x128xf32>
    %select_n3A_296 = arith.select %gt3A_295, %select_n3A_290, %select_n3A_272 : vector<1024x128xi1>, vector<1024x128xf32>
    %select_n3A_297 = arith.select %gt3A_294, %select_n3A_276, %select_n3A_296 : vector<1024x128xi1>, vector<1024x128xf32>
    %select_n3A_298 = arith.select %gt3A_295, %add3A_292, %select_n3A_274 : vector<1024x128xi1>, vector<1024x128xi32>
    %select_n3A_299 = arith.select %gt3A_294, %select_n3A_278, %select_n3A_298 : vector<1024x128xi1>, vector<1024x128xi32>
    %select_n3A_300 = arith.select %gt3A_294, %select_n3A_290, %select_n3A_276 : vector<1024x128xi1>, vector<1024x128xf32>
    %select_n3A_301 = arith.select %gt3A_293, %select_n3A_279, %select_n3A_300 : vector<1024x128xi1>, vector<1024x128xf32>
    %select_n3A_302 = arith.select %gt3A_294, %add3A_292, %select_n3A_278 : vector<1024x128xi1>, vector<1024x128xi32>
    %select_n3A_303 = arith.select %gt3A_293, %select_n3A_280, %select_n3A_302 : vector<1024x128xi1>, vector<1024x128xi32>
    %select_n3A_304 = arith.select %gt3A_293, %select_n3A_290, %select_n3A_279 : vector<1024x128xi1>, vector<1024x128xf32>
    %select_n3A_305 = arith.select %gt3A_293, %add3A_292, %select_n3A_280 : vector<1024x128xi1>, vector<1024x128xi32>
    %slice3A_306 = vector.extract_strided_slice %dot_general3A_8 {offsets = [0, 1408], sizes = [1024, 128], strides = [1, 1]} : vector<1024x2048xf32> to vector<1024x128xf32>
    %add3A_307 = arith.constant 1408 : i32
    %add3A_308 = arith.addi %mul3A_7, %add3A_307 : i32
    %sub3A_309 = arith.constant 100000 : i32
    %sub3A_310 = arith.subi %sub3A_309, %add3A_308 : i32
    %lt3A_311 = vector.broadcast %sub3A_310 : i32 to vector<1024x128xi32>
    %lt3A_312 = arith.cmpi slt, %iota3A, %lt3A_311 : vector<1024x128xi32>
    %jit3A_313 = arith.constant 0xFF800000 : f32
    %broadcast_in_dim3A_314 = vector.broadcast %jit3A_313 : f32 to vector<1024x128xf32>
    %select_n3A_315 = arith.select %lt3A_312, %slice3A_306, %broadcast_in_dim3A_314 : vector<1024x128xi1>, vector<1024x128xf32>
    %add3A_316 = vector.broadcast %add3A_308 : i32 to vector<1024x128xi32>
    %add3A_317 = arith.addi %iota3A, %add3A_316 : vector<1024x128xi32>
    %gt3A_318 = arith.cmpf ogt, %select_n3A_315, %select_n3A_304 : vector<1024x128xf32>
    %gt3A_319 = arith.cmpf ogt, %select_n3A_315, %select_n3A_301 : vector<1024x128xf32>
    %gt3A_320 = arith.cmpf ogt, %select_n3A_315, %select_n3A_297 : vector<1024x128xf32>
    %select_n3A_321 = arith.select %gt3A_320, %select_n3A_315, %select_n3A_297 : vector<1024x128xi1>, vector<1024x128xf32>
    %select_n3A_322 = arith.select %gt3A_319, %select_n3A_301, %select_n3A_321 : vector<1024x128xi1>, vector<1024x128xf32>
    %select_n3A_323 = arith.select %gt3A_320, %add3A_317, %select_n3A_299 : vector<1024x128xi1>, vector<1024x128xi32>
    %select_n3A_324 = arith.select %gt3A_319, %select_n3A_303, %select_n3A_323 : vector<1024x128xi1>, vector<1024x128xi32>
    %select_n3A_325 = arith.select %gt3A_319, %select_n3A_315, %select_n3A_301 : vector<1024x128xi1>, vector<1024x128xf32>
    %select_n3A_326 = arith.select %gt3A_318, %select_n3A_304, %select_n3A_325 : vector<1024x128xi1>, vector<1024x128xf32>
    %select_n3A_327 = arith.select %gt3A_319, %add3A_317, %select_n3A_303 : vector<1024x128xi1>, vector<1024x128xi32>
    %select_n3A_328 = arith.select %gt3A_318, %select_n3A_305, %select_n3A_327 : vector<1024x128xi1>, vector<1024x128xi32>
    %select_n3A_329 = arith.select %gt3A_318, %select_n3A_315, %select_n3A_304 : vector<1024x128xi1>, vector<1024x128xf32>
    %select_n3A_330 = arith.select %gt3A_318, %add3A_317, %select_n3A_305 : vector<1024x128xi1>, vector<1024x128xi32>
    %slice3A_331 = vector.extract_strided_slice %dot_general3A_8 {offsets = [0, 1536], sizes = [1024, 128], strides = [1, 1]} : vector<1024x2048xf32> to vector<1024x128xf32>
    %add3A_332 = arith.constant 1536 : i32
    %add3A_333 = arith.addi %mul3A_7, %add3A_332 : i32
    %sub3A_334 = arith.constant 100000 : i32
    %sub3A_335 = arith.subi %sub3A_334, %add3A_333 : i32
    %lt3A_336 = vector.broadcast %sub3A_335 : i32 to vector<1024x128xi32>
    %lt3A_337 = arith.cmpi slt, %iota3A, %lt3A_336 : vector<1024x128xi32>
    %jit3A_338 = arith.constant 0xFF800000 : f32
    %broadcast_in_dim3A_339 = vector.broadcast %jit3A_338 : f32 to vector<1024x128xf32>
    %select_n3A_340 = arith.select %lt3A_337, %slice3A_331, %broadcast_in_dim3A_339 : vector<1024x128xi1>, vector<1024x128xf32>
    %add3A_341 = vector.broadcast %add3A_333 : i32 to vector<1024x128xi32>
    %add3A_342 = arith.addi %iota3A, %add3A_341 : vector<1024x128xi32>
    %gt3A_343 = arith.cmpf ogt, %select_n3A_340, %select_n3A_329 : vector<1024x128xf32>
    %gt3A_344 = arith.cmpf ogt, %select_n3A_340, %select_n3A_326 : vector<1024x128xf32>
    %gt3A_345 = arith.cmpf ogt, %select_n3A_340, %select_n3A_322 : vector<1024x128xf32>
    %select_n3A_346 = arith.select %gt3A_345, %select_n3A_340, %select_n3A_322 : vector<1024x128xi1>, vector<1024x128xf32>
    %select_n3A_347 = arith.select %gt3A_344, %select_n3A_326, %select_n3A_346 : vector<1024x128xi1>, vector<1024x128xf32>
    %select_n3A_348 = arith.select %gt3A_345, %add3A_342, %select_n3A_324 : vector<1024x128xi1>, vector<1024x128xi32>
    %select_n3A_349 = arith.select %gt3A_344, %select_n3A_328, %select_n3A_348 : vector<1024x128xi1>, vector<1024x128xi32>
    %select_n3A_350 = arith.select %gt3A_344, %select_n3A_340, %select_n3A_326 : vector<1024x128xi1>, vector<1024x128xf32>
    %select_n3A_351 = arith.select %gt3A_343, %select_n3A_329, %select_n3A_350 : vector<1024x128xi1>, vector<1024x128xf32>
    %select_n3A_352 = arith.select %gt3A_344, %add3A_342, %select_n3A_328 : vector<1024x128xi1>, vector<1024x128xi32>
    %select_n3A_353 = arith.select %gt3A_343, %select_n3A_330, %select_n3A_352 : vector<1024x128xi1>, vector<1024x128xi32>
    %select_n3A_354 = arith.select %gt3A_343, %select_n3A_340, %select_n3A_329 : vector<1024x128xi1>, vector<1024x128xf32>
    %select_n3A_355 = arith.select %gt3A_343, %add3A_342, %select_n3A_330 : vector<1024x128xi1>, vector<1024x128xi32>
    %slice3A_356 = vector.extract_strided_slice %dot_general3A_8 {offsets = [0, 1664], sizes = [1024, 128], strides = [1, 1]} : vector<1024x2048xf32> to vector<1024x128xf32>
    %add3A_357 = arith.constant 1664 : i32
    %add3A_358 = arith.addi %mul3A_7, %add3A_357 : i32
    %sub3A_359 = arith.constant 100000 : i32
    %sub3A_360 = arith.subi %sub3A_359, %add3A_358 : i32
    %lt3A_361 = vector.broadcast %sub3A_360 : i32 to vector<1024x128xi32>
    %lt3A_362 = arith.cmpi slt, %iota3A, %lt3A_361 : vector<1024x128xi32>
    %jit3A_363 = arith.constant 0xFF800000 : f32
    %broadcast_in_dim3A_364 = vector.broadcast %jit3A_363 : f32 to vector<1024x128xf32>
    %select_n3A_365 = arith.select %lt3A_362, %slice3A_356, %broadcast_in_dim3A_364 : vector<1024x128xi1>, vector<1024x128xf32>
    %add3A_366 = vector.broadcast %add3A_358 : i32 to vector<1024x128xi32>
    %add3A_367 = arith.addi %iota3A, %add3A_366 : vector<1024x128xi32>
    %gt3A_368 = arith.cmpf ogt, %select_n3A_365, %select_n3A_354 : vector<1024x128xf32>
    %gt3A_369 = arith.cmpf ogt, %select_n3A_365, %select_n3A_351 : vector<1024x128xf32>
    %gt3A_370 = arith.cmpf ogt, %select_n3A_365, %select_n3A_347 : vector<1024x128xf32>
    %select_n3A_371 = arith.select %gt3A_370, %select_n3A_365, %select_n3A_347 : vector<1024x128xi1>, vector<1024x128xf32>
    %select_n3A_372 = arith.select %gt3A_369, %select_n3A_351, %select_n3A_371 : vector<1024x128xi1>, vector<1024x128xf32>
    %select_n3A_373 = arith.select %gt3A_370, %add3A_367, %select_n3A_349 : vector<1024x128xi1>, vector<1024x128xi32>
    %select_n3A_374 = arith.select %gt3A_369, %select_n3A_353, %select_n3A_373 : vector<1024x128xi1>, vector<1024x128xi32>
    %select_n3A_375 = arith.select %gt3A_369, %select_n3A_365, %select_n3A_351 : vector<1024x128xi1>, vector<1024x128xf32>
    %select_n3A_376 = arith.select %gt3A_368, %select_n3A_354, %select_n3A_375 : vector<1024x128xi1>, vector<1024x128xf32>
    %select_n3A_377 = arith.select %gt3A_369, %add3A_367, %select_n3A_353 : vector<1024x128xi1>, vector<1024x128xi32>
    %select_n3A_378 = arith.select %gt3A_368, %select_n3A_355, %select_n3A_377 : vector<1024x128xi1>, vector<1024x128xi32>
    %select_n3A_379 = arith.select %gt3A_368, %select_n3A_365, %select_n3A_354 : vector<1024x128xi1>, vector<1024x128xf32>
    %select_n3A_380 = arith.select %gt3A_368, %add3A_367, %select_n3A_355 : vector<1024x128xi1>, vector<1024x128xi32>
    %slice3A_381 = vector.extract_strided_slice %dot_general3A_8 {offsets = [0, 1792], sizes = [1024, 128], strides = [1, 1]} : vector<1024x2048xf32> to vector<1024x128xf32>
    %add3A_382 = arith.constant 1792 : i32
    %add3A_383 = arith.addi %mul3A_7, %add3A_382 : i32
    %sub3A_384 = arith.constant 100000 : i32
    %sub3A_385 = arith.subi %sub3A_384, %add3A_383 : i32
    %lt3A_386 = vector.broadcast %sub3A_385 : i32 to vector<1024x128xi32>
    %lt3A_387 = arith.cmpi slt, %iota3A, %lt3A_386 : vector<1024x128xi32>
    %jit3A_388 = arith.constant 0xFF800000 : f32
    %broadcast_in_dim3A_389 = vector.broadcast %jit3A_388 : f32 to vector<1024x128xf32>
    %select_n3A_390 = arith.select %lt3A_387, %slice3A_381, %broadcast_in_dim3A_389 : vector<1024x128xi1>, vector<1024x128xf32>
    %add3A_391 = vector.broadcast %add3A_383 : i32 to vector<1024x128xi32>
    %add3A_392 = arith.addi %iota3A, %add3A_391 : vector<1024x128xi32>
    %gt3A_393 = arith.cmpf ogt, %select_n3A_390, %select_n3A_379 : vector<1024x128xf32>
    %gt3A_394 = arith.cmpf ogt, %select_n3A_390, %select_n3A_376 : vector<1024x128xf32>
    %gt3A_395 = arith.cmpf ogt, %select_n3A_390, %select_n3A_372 : vector<1024x128xf32>
    %select_n3A_396 = arith.select %gt3A_395, %select_n3A_390, %select_n3A_372 : vector<1024x128xi1>, vector<1024x128xf32>
    %select_n3A_397 = arith.select %gt3A_394, %select_n3A_376, %select_n3A_396 : vector<1024x128xi1>, vector<1024x128xf32>
    %select_n3A_398 = arith.select %gt3A_395, %add3A_392, %select_n3A_374 : vector<1024x128xi1>, vector<1024x128xi32>
    %select_n3A_399 = arith.select %gt3A_394, %select_n3A_378, %select_n3A_398 : vector<1024x128xi1>, vector<1024x128xi32>
    %select_n3A_400 = arith.select %gt3A_394, %select_n3A_390, %select_n3A_376 : vector<1024x128xi1>, vector<1024x128xf32>
    %select_n3A_401 = arith.select %gt3A_393, %select_n3A_379, %select_n3A_400 : vector<1024x128xi1>, vector<1024x128xf32>
    %select_n3A_402 = arith.select %gt3A_394, %add3A_392, %select_n3A_378 : vector<1024x128xi1>, vector<1024x128xi32>
    %select_n3A_403 = arith.select %gt3A_393, %select_n3A_380, %select_n3A_402 : vector<1024x128xi1>, vector<1024x128xi32>
    %select_n3A_404 = arith.select %gt3A_393, %select_n3A_390, %select_n3A_379 : vector<1024x128xi1>, vector<1024x128xf32>
    %select_n3A_405 = arith.select %gt3A_393, %add3A_392, %select_n3A_380 : vector<1024x128xi1>, vector<1024x128xi32>
    %slice3A_406 = vector.extract_strided_slice %dot_general3A_8 {offsets = [0, 1920], sizes = [1024, 128], strides = [1, 1]} : vector<1024x2048xf32> to vector<1024x128xf32>
    %add3A_407 = arith.constant 1920 : i32
    %add3A_408 = arith.addi %mul3A_7, %add3A_407 : i32
    %sub3A_409 = arith.constant 100000 : i32
    %sub3A_410 = arith.subi %sub3A_409, %add3A_408 : i32
    %lt3A_411 = vector.broadcast %sub3A_410 : i32 to vector<1024x128xi32>
    %lt3A_412 = arith.cmpi slt, %iota3A, %lt3A_411 : vector<1024x128xi32>
    %jit3A_413 = arith.constant 0xFF800000 : f32
    %broadcast_in_dim3A_414 = vector.broadcast %jit3A_413 : f32 to vector<1024x128xf32>
    %select_n3A_415 = arith.select %lt3A_412, %slice3A_406, %broadcast_in_dim3A_414 : vector<1024x128xi1>, vector<1024x128xf32>
    %add3A_416 = vector.broadcast %add3A_408 : i32 to vector<1024x128xi32>
    %add3A_417 = arith.addi %iota3A, %add3A_416 : vector<1024x128xi32>
    %gt3A_418 = arith.cmpf ogt, %select_n3A_415, %select_n3A_404 : vector<1024x128xf32>
    %gt3A_419 = arith.cmpf ogt, %select_n3A_415, %select_n3A_401 : vector<1024x128xf32>
    %gt3A_420 = arith.cmpf ogt, %select_n3A_415, %select_n3A_397 : vector<1024x128xf32>
    %select_n3A_421 = arith.select %gt3A_420, %select_n3A_415, %select_n3A_397 : vector<1024x128xi1>, vector<1024x128xf32>
    %select_n3A_422 = arith.select %gt3A_419, %select_n3A_401, %select_n3A_421 : vector<1024x128xi1>, vector<1024x128xf32>
    %select_n3A_423 = arith.select %gt3A_420, %add3A_417, %select_n3A_399 : vector<1024x128xi1>, vector<1024x128xi32>
    %select_n3A_424 = arith.select %gt3A_419, %select_n3A_403, %select_n3A_423 : vector<1024x128xi1>, vector<1024x128xi32>
    %select_n3A_425 = arith.select %gt3A_419, %select_n3A_415, %select_n3A_401 : vector<1024x128xi1>, vector<1024x128xf32>
    %select_n3A_426 = arith.select %gt3A_418, %select_n3A_404, %select_n3A_425 : vector<1024x128xi1>, vector<1024x128xf32>
    %select_n3A_427 = arith.select %gt3A_419, %add3A_417, %select_n3A_403 : vector<1024x128xi1>, vector<1024x128xi32>
    %select_n3A_428 = arith.select %gt3A_418, %select_n3A_405, %select_n3A_427 : vector<1024x128xi1>, vector<1024x128xi32>
    %select_n3A_429 = arith.select %gt3A_418, %select_n3A_415, %select_n3A_404 : vector<1024x128xi1>, vector<1024x128xf32>
    %select_n3A_430 = arith.select %gt3A_418, %add3A_417, %select_n3A_405 : vector<1024x128xi1>, vector<1024x128xi32>
    %swap3A = arith.constant 0 : index
    %swap3A_431 = arith.constant 0 : index
    %swap3A_432 = arith.constant 0 : index
    %swap3A_433 = vector.load %arg6[%swap3A, %swap3A_431, %swap3A_432] : memref<3x1024x128xf32, #tpu.memory_space<vmem>>, vector<1x1024x128xf32>
    %swap3A_434 = vector.shape_cast %swap3A_433 : vector<1x1024x128xf32> to vector<1024x128xf32>
    %swap3A_435 = vector.shape_cast %select_n3A_429 : vector<1024x128xf32> to vector<1x1024x128xf32>
    tpu.vector_store %arg6[%swap3A, %swap3A_431, %swap3A_432], %swap3A_435 {strides = array<i32>} : memref<3x1024x128xf32, #tpu.memory_space<vmem>>, vector<1x1024x128xf32>,
    %swap3A_436 = arith.constant 1 : index
    %swap3A_437 = arith.constant 0 : index
    %swap3A_438 = arith.constant 0 : index
    %swap3A_439 = vector.load %arg6[%swap3A_436, %swap3A_437, %swap3A_438] : memref<3x1024x128xf32, #tpu.memory_space<vmem>>, vector<1x1024x128xf32>
    %swap3A_440 = vector.shape_cast %swap3A_439 : vector<1x1024x128xf32> to vector<1024x128xf32>
    %swap3A_441 = vector.shape_cast %select_n3A_426 : vector<1024x128xf32> to vector<1x1024x128xf32>
    tpu.vector_store %arg6[%swap3A_436, %swap3A_437, %swap3A_438], %swap3A_441 {strides = array<i32>} : memref<3x1024x128xf32, #tpu.memory_space<vmem>>, vector<1x1024x128xf32>,
    %swap3A_442 = arith.constant 2 : index
    %swap3A_443 = arith.constant 0 : index
    %swap3A_444 = arith.constant 0 : index
    %swap3A_445 = vector.load %arg6[%swap3A_442, %swap3A_443, %swap3A_444] : memref<3x1024x128xf32, #tpu.memory_space<vmem>>, vector<1x1024x128xf32>
    %swap3A_446 = vector.shape_cast %swap3A_445 : vector<1x1024x128xf32> to vector<1024x128xf32>
    %swap3A_447 = vector.shape_cast %select_n3A_422 : vector<1024x128xf32> to vector<1x1024x128xf32>
    tpu.vector_store %arg6[%swap3A_442, %swap3A_443, %swap3A_444], %swap3A_447 {strides = array<i32>} : memref<3x1024x128xf32, #tpu.memory_space<vmem>>, vector<1x1024x128xf32>,
    %swap3A_448 = arith.constant 0 : index
    %swap3A_449 = arith.constant 0 : index
    %swap3A_450 = arith.constant 0 : index
    %swap3A_451 = vector.load %arg7[%swap3A_448, %swap3A_449, %swap3A_450] : memref<3x1024x128xi32, #tpu.memory_space<vmem>>, vector<1x1024x128xi32>
    %swap3A_452 = vector.shape_cast %swap3A_451 : vector<1x1024x128xi32> to vector<1024x128xi32>
    %swap3A_453 = vector.shape_cast %select_n3A_430 : vector<1024x128xi32> to vector<1x1024x128xi32>
    tpu.vector_store %arg7[%swap3A_448, %swap3A_449, %swap3A_450], %swap3A_453 {strides = array<i32>} : memref<3x1024x128xi32, #tpu.memory_space<vmem>>, vector<1x1024x128xi32>,
    %swap3A_454 = arith.constant 1 : index
    %swap3A_455 = arith.constant 0 : index
    %swap3A_456 = arith.constant 0 : index
    %swap3A_457 = vector.load %arg7[%swap3A_454, %swap3A_455, %swap3A_456] : memref<3x1024x128xi32, #tpu.memory_space<vmem>>, vector<1x1024x128xi32>
    %swap3A_458 = vector.shape_cast %swap3A_457 : vector<1x1024x128xi32> to vector<1024x128xi32>
    %swap3A_459 = vector.shape_cast %select_n3A_428 : vector<1024x128xi32> to vector<1x1024x128xi32>
    tpu.vector_store %arg7[%swap3A_454, %swap3A_455, %swap3A_456], %swap3A_459 {strides = array<i32>} : memref<3x1024x128xi32, #tpu.memory_space<vmem>>, vector<1x1024x128xi32>,
    %swap3A_460 = arith.constant 2 : index
    %swap3A_461 = arith.constant 0 : index
    %swap3A_462 = arith.constant 0 : index
    %swap3A_463 = vector.load %arg7[%swap3A_460, %swap3A_461, %swap3A_462] : memref<3x1024x128xi32, #tpu.memory_space<vmem>>, vector<1x1024x128xi32>
    %swap3A_464 = vector.shape_cast %swap3A_463 : vector<1x1024x128xi32> to vector<1024x128xi32>
    %swap3A_465 = vector.shape_cast %select_n3A_424 : vector<1024x128xi32> to vector<1x1024x128xi32>
    tpu.vector_store %arg7[%swap3A_460, %swap3A_461, %swap3A_462], %swap3A_465 {strides = array<i32>} : memref<3x1024x128xi32, #tpu.memory_space<vmem>>, vector<1x1024x128xi32>,
    %eq3A_466 = arith.constant 48 : i32
    %eq3A_467 = arith.cmpi eq, %arg0, %eq3A_466 : i32
    %convert_element_type3A_468 = arith.extui %eq3A_467 : i1 to i32
    %cond3A_469 = arith.constant 0 : i32
    %cond3A_470 = arith.cmpi ne, %convert_element_type3A_468, %cond3A_469 : i32
    scf.if %cond3A_470 {
      %reduce_max3A = arith.constant dense<0xFF800000> : vector<1024xf32>
      %reduce_max3A_471 = vector.multi_reduction <maximumf>, %select_n3A_429, %reduce_max3A [1] : vector<1024x128xf32> to vector<1024xf32>
      %broadcast_in_dim3A_472 = vector.shape_cast %reduce_max3A_471 : vector<1024xf32> to vector<1024x1xf32>
      %eq3A_473 = vector.broadcast %broadcast_in_dim3A_472 : vector<1024x1xf32> to vector<1024x128xf32>
      %eq3A_474 = arith.cmpf oeq, %select_n3A_429, %eq3A_473 : vector<1024x128xf32>
      %jit3A_475 = arith.constant 1073741824 : i32
      %broadcast_in_dim3A_476 = vector.broadcast %jit3A_475 : i32 to vector<1024x128xi32>
      %select_n3A_477 = arith.select %eq3A_474, %select_n3A_430, %broadcast_in_dim3A_476 : vector<1024x128xi1>, vector<1024x128xi32>
      %reduce_min3A = arith.constant dense<2147483647> : vector<1024xi32>
      %reduce_min3A_478 = vector.multi_reduction <minsi>, %select_n3A_477, %reduce_min3A [1] : vector<1024x128xi32> to vector<1024xi32>
      %broadcast_in_dim3A_479 = vector.shape_cast %reduce_min3A_478 : vector<1024xi32> to vector<1024x1xi32>
      %swap3A_480 = arith.constant 0 : index
      %swap3A_481 = arith.constant 0 : index
      %swap3A_482 = vector.load %arg3[%swap3A_480, %swap3A_481] : memref<1024x3xf32, #tpu.memory_space<vmem>>, vector<1024x1xf32>
      tpu.vector_store %arg3[%swap3A_480, %swap3A_481], %broadcast_in_dim3A_472 {strides = array<i32>} : memref<1024x3xf32, #tpu.memory_space<vmem>>, vector<1024x1xf32>,
      %swap3A_483 = arith.constant 0 : index
      %swap3A_484 = arith.constant 0 : index
      %swap3A_485 = vector.load %arg4[%swap3A_483, %swap3A_484] : memref<1024x3xi32, #tpu.memory_space<vmem>>, vector<1024x1xi32>
      tpu.vector_store %arg4[%swap3A_483, %swap3A_484], %broadcast_in_dim3A_479 {strides = array<i32>} : memref<1024x3xi32, #tpu.memory_space<vmem>>, vector<1024x1xi32>,
      %eq3A_486 = vector.broadcast %broadcast_in_dim3A_479 : vector<1024x1xi32> to vector<1024x128xi32>
      %eq3A_487 = arith.cmpi eq, %select_n3A_430, %eq3A_486 : vector<1024x128xi32>
      %select_n3A_488 = arith.select %eq3A_487, %select_n3A_426, %select_n3A_429 : vector<1024x128xi1>, vector<1024x128xf32>
      %select_n3A_489 = arith.select %eq3A_487, %select_n3A_428, %select_n3A_430 : vector<1024x128xi1>, vector<1024x128xi32>
      %select_n3A_490 = arith.select %eq3A_487, %select_n3A_422, %select_n3A_426 : vector<1024x128xi1>, vector<1024x128xf32>
      %select_n3A_491 = arith.select %eq3A_487, %select_n3A_424, %select_n3A_428 : vector<1024x128xi1>, vector<1024x128xi32>
      %reduce_max3A_492 = arith.constant dense<0xFF800000> : vector<1024xf32>
      %reduce_max3A_493 = vector.multi_reduction <maximumf>, %select_n3A_488, %reduce_max3A_492 [1] : vector<1024x128xf32> to vector<1024xf32>
      %broadcast_in_dim3A_494 = vector.shape_cast %reduce_max3A_493 : vector<1024xf32> to vector<1024x1xf32>
      %eq3A_495 = vector.broadcast %broadcast_in_dim3A_494 : vector<1024x1xf32> to vector<1024x128xf32>
      %eq3A_496 = arith.cmpf oeq, %select_n3A_488, %eq3A_495 : vector<1024x128xf32>
      %jit3A_497 = arith.constant 1073741824 : i32
      %broadcast_in_dim3A_498 = vector.broadcast %jit3A_497 : i32 to vector<1024x128xi32>
      %select_n3A_499 = arith.select %eq3A_496, %select_n3A_489, %broadcast_in_dim3A_498 : vector<1024x128xi1>, vector<1024x128xi32>
      %reduce_min3A_500 = arith.constant dense<2147483647> : vector<1024xi32>
      %reduce_min3A_501 = vector.multi_reduction <minsi>, %select_n3A_499, %reduce_min3A_500 [1] : vector<1024x128xi32> to vector<1024xi32>
      %broadcast_in_dim3A_502 = vector.shape_cast %reduce_min3A_501 : vector<1024xi32> to vector<1024x1xi32>
      %swap3A_503 = arith.constant 0 : index
      %swap3A_504 = arith.constant 1 : index
      %swap3A_505 = vector.load %arg3[%swap3A_503, %swap3A_504] : memref<1024x3xf32, #tpu.memory_space<vmem>>, vector<1024x1xf32>
      tpu.vector_store %arg3[%swap3A_503, %swap3A_504], %broadcast_in_dim3A_494 {strides = array<i32>} : memref<1024x3xf32, #tpu.memory_space<vmem>>, vector<1024x1xf32>,
      %swap3A_506 = arith.constant 0 : index
      %swap3A_507 = arith.constant 1 : index
      %swap3A_508 = vector.load %arg4[%swap3A_506, %swap3A_507] : memref<1024x3xi32, #tpu.memory_space<vmem>>, vector<1024x1xi32>
      tpu.vector_store %arg4[%swap3A_506, %swap3A_507], %broadcast_in_dim3A_502 {strides = array<i32>} : memref<1024x3xi32, #tpu.memory_space<vmem>>, vector<1024x1xi32>,
      %eq3A_509 = vector.broadcast %broadcast_in_dim3A_502 : vector<1024x1xi32> to vector<1024x128xi32>
      %eq3A_510 = arith.cmpi eq, %select_n3A_489, %eq3A_509 : vector<1024x128xi32>
      %select_n3A_511 = arith.select %eq3A_510, %select_n3A_490, %select_n3A_488 : vector<1024x128xi1>, vector<1024x128xf32>
      %select_n3A_512 = arith.select %eq3A_510, %select_n3A_491, %select_n3A_489 : vector<1024x128xi1>, vector<1024x128xi32>
      %reduce_max3A_513 = arith.constant dense<0xFF800000> : vector<1024xf32>
      %reduce_max3A_514 = vector.multi_reduction <maximumf>, %select_n3A_511, %reduce_max3A_513 [1] : vector<1024x128xf32> to vector<1024xf32>
      %broadcast_in_dim3A_515 = vector.shape_cast %reduce_max3A_514 : vector<1024xf32> to vector<1024x1xf32>
      %eq3A_516 = vector.broadcast %broadcast_in_dim3A_515 : vector<1024x1xf32> to vector<1024x128xf32>
      %eq3A_517 = arith.cmpf oeq, %select_n3A_511, %eq3A_516 : vector<1024x128xf32>
      %jit3A_518 = arith.constant 1073741824 : i32
      %broadcast_in_dim3A_519 = vector.broadcast %jit3A_518 : i32 to vector<1024x128xi32>
      %select_n3A_520 = arith.select %eq3A_517, %select_n3A_512, %broadcast_in_dim3A_519 : vector<1024x128xi1>, vector<1024x128xi32>
      %reduce_min3A_521 = arith.constant dense<2147483647> : vector<1024xi32>
      %reduce_min3A_522 = vector.multi_reduction <minsi>, %select_n3A_520, %reduce_min3A_521 [1] : vector<1024x128xi32> to vector<1024xi32>
      %broadcast_in_dim3A_523 = vector.shape_cast %reduce_min3A_522 : vector<1024xi32> to vector<1024x1xi32>
      %swap3A_524 = arith.constant 0 : index
      %swap3A_525 = arith.constant 2 : index
      %swap3A_526 = vector.load %arg3[%swap3A_524, %swap3A_525] : memref<1024x3xf32, #tpu.memory_space<vmem>>, vector<1024x1xf32>
      tpu.vector_store %arg3[%swap3A_524, %swap3A_525], %broadcast_in_dim3A_515 {strides = array<i32>} : memref<1024x3xf32, #tpu.memory_space<vmem>>, vector<1024x1xf32>,
      %swap3A_527 = arith.constant 0 : index
      %swap3A_528 = arith.constant 2 : index
      %swap3A_529 = vector.load %arg4[%swap3A_527, %swap3A_528] : memref<1024x3xi32, #tpu.memory_space<vmem>>, vector<1024x1xi32>
      tpu.vector_store %arg4[%swap3A_527, %swap3A_528], %broadcast_in_dim3A_523 {strides = array<i32>} : memref<1024x3xi32, #tpu.memory_space<vmem>>, vector<1024x1xi32>,
    } else {
    }
    return
  }
  func.func @transform_0(%arg0: i32) -> (i32, i32) {
    %c0_i32 = arith.constant 0 : i32
    %c0_i32_0 = arith.constant 0 : i32
    %c0_i32_1 = arith.constant 0 : i32
    return %c0_i32, %c0_i32_0 : i32, i32
  }
  func.func @transform_1(%arg0: i32) -> (i32, i32) {
    %c0_i32 = arith.constant 0 : i32
    %c0_i32_0 = arith.constant 0 : i32
    return %arg0, %c0_i32 : i32, i32
  }
  func.func @transform_2(%arg0: i32) -> (i32, i32) {
    %c0_i32 = arith.constant 0 : i32
    %c0_i32_0 = arith.constant 0 : i32
    %c0_i32_1 = arith.constant 0 : i32
    return %c0_i32, %c0_i32_0 : i32, i32
  }
  func.func @transform_3(%arg0: i32) -> (i32, i32) {
    %c0_i32 = arith.constant 0 : i32
    %c0_i32_0 = arith.constant 0 : i32
    %c0_i32_1 = arith.constant 0 : i32
    return %c0_i32, %c0_i32_0 : i32, i32
  }
}

module attributes {stable_mosaic.version = 14 : i64} {
  func.func @_mea_body(%arg0: i32, %arg1: memref<3x128x640xf32, #tpu.memory_space<vmem>>, %arg2: memref<128x640xf32, #tpu.memory_space<vmem>>, %arg3: memref<3x128x1xf32, #tpu.memory_space<vmem>>, %arg4: memref<3x128x1xi32, #tpu.memory_space<vmem>>, %arg5: memref<3x640x640xf32, #tpu.memory_space<vmem>>, %arg6: memref<3x640x640xf32, #tpu.memory_space<vmem>>, %arg7: memref<3x640x640xf32, #tpu.memory_space<vmem>>, %arg8: memref<3x640x640xf32, #tpu.memory_space<vmem>>, %arg9: memref<3x640xf32, #tpu.memory_space<vmem>>, %arg10: memref<3x640xf32, #tpu.memory_space<vmem>>, %arg11: memref<3x640xf32, #tpu.memory_space<vmem>>, %arg12: memref<3x640xf32, #tpu.memory_space<vmem>>, %arg13: memref<640x640xf32, #tpu.memory_space<vmem>>, %arg14: memref<640xf32, #tpu.memory_space<vmem>>, %arg15: memref<640x12xf32, #tpu.memory_space<vmem>>, %arg16: memref<12xf32, #tpu.memory_space<vmem>>, %arg17: memref<128x12xf32, #tpu.memory_space<vmem>>) attributes {dimension_semantics = [#tpu.dimension_semantics<arbitrary>], iteration_bounds = array<i64: 8>, scalar_prefetch = 0 : i64, scratch_operands = 0 : i64, tpu.core_type = #tpu.core_type<tc>, window_params = [{transform_indices = @transform_0, window_bounds = array<i64: 3, 128, 640>}, {transform_indices = @transform_1, window_bounds = array<i64: 128, 640>}, {transform_indices = @transform_2, window_bounds = array<i64: 3, 128, 1>}, {transform_indices = @transform_3, window_bounds = array<i64: 3, 128, 1>}, {pipeline_mode = #tpu.pipeline_mode<synchronous>, transform_indices = @transform_4, window_bounds = array<i64: 3, 640, 640>}, {pipeline_mode = #tpu.pipeline_mode<synchronous>, transform_indices = @transform_5, window_bounds = array<i64: 3, 640, 640>}, {pipeline_mode = #tpu.pipeline_mode<synchronous>, transform_indices = @transform_6, window_bounds = array<i64: 3, 640, 640>}, {pipeline_mode = #tpu.pipeline_mode<synchronous>, transform_indices = @transform_7, window_bounds = array<i64: 3, 640, 640>}, {pipeline_mode = #tpu.pipeline_mode<synchronous>, transform_indices = @transform_8, window_bounds = array<i64: 3, 640>}, {pipeline_mode = #tpu.pipeline_mode<synchronous>, transform_indices = @transform_9, window_bounds = array<i64: 3, 640>}, {pipeline_mode = #tpu.pipeline_mode<synchronous>, transform_indices = @transform_10, window_bounds = array<i64: 3, 640>}, {pipeline_mode = #tpu.pipeline_mode<synchronous>, transform_indices = @transform_11, window_bounds = array<i64: 3, 640>}, {pipeline_mode = #tpu.pipeline_mode<synchronous>, transform_indices = @transform_12, window_bounds = array<i64: 640, 640>}, {pipeline_mode = #tpu.pipeline_mode<synchronous>, transform_indices = @transform_13, window_bounds = array<i64: 640>}, {pipeline_mode = #tpu.pipeline_mode<synchronous>, transform_indices = @transform_14, window_bounds = array<i64: 640, 12>}, {pipeline_mode = #tpu.pipeline_mode<synchronous>, transform_indices = @transform_15, window_bounds = array<i64: 12>}, {transform_indices = @transform_16, window_bounds = array<i64: 128, 12>}]} {
    %get3A = arith.constant 0 : index
    %get3A_0 = arith.constant 0 : index
    %get3A_1 = vector.load %arg2[%get3A, %get3A_0] : memref<128x640xf32, #tpu.memory_space<vmem>>, vector<128x640xf32>
    %get3A_2 = arith.constant 0 : index
    %get3A_3 = arith.constant 0 : index
    %get3A_4 = arith.constant 0 : index
    %get3A_5 = vector.load %arg3[%get3A_2, %get3A_3, %get3A_4] : memref<3x128x1xf32, #tpu.memory_space<vmem>>, vector<3x128x1xf32>
    %get3A_6 = arith.constant 0 : index
    %get3A_7 = arith.constant 0 : index
    %get3A_8 = arith.constant 0 : index
    %get3A_9 = vector.load %arg4[%get3A_6, %get3A_7, %get3A_8] : memref<3x128x1xi32, #tpu.memory_space<vmem>>, vector<3x128x1xi32>
    %iota3A = tpu.iota {dimensions = array<i32: 2>} : vector<3x128x640xi32>
    %eq3A = vector.broadcast %get3A_9 : vector<3x128x1xi32> to vector<3x128x640xi32>
    %eq3A_10 = arith.cmpi eq, %eq3A, %iota3A : vector<3x128x640xi32>
    %jit3A = arith.constant 1.000000e+00 : f32
    %jit3A_11 = arith.constant 0.000000e+00 : f32
    %broadcast_in_dim3A = vector.broadcast %jit3A : f32 to vector<3x128x640xf32>
    %broadcast_in_dim3A_12 = vector.broadcast %jit3A_11 : f32 to vector<3x128x640xf32>
    %select_n3A = arith.select %eq3A_10, %broadcast_in_dim3A, %broadcast_in_dim3A_12 : vector<3x128x640xi1>, vector<3x128x640xf32>
    %mul3A = vector.broadcast %get3A_5 : vector<3x128x1xf32> to vector<3x128x640xf32>
    %mul3A_13 = arith.mulf %select_n3A, %mul3A : vector<3x128x640xf32>
    %reshape3A = vector.shape_cast %mul3A_13 : vector<3x128x640xf32> to vector<384x640xf32>
    %concatenate3A = tpu.concatenate %get3A_1, %get3A_1, %get3A_1 in 0 : vector<128x640xf32>, vector<128x640xf32>, vector<128x640xf32> -> vector<384x640xf32>
    %get3A_14 = arith.constant 0 : index
    %get3A_15 = arith.constant 0 : index
    %get3A_16 = arith.constant 0 : index
    %get3A_17 = vector.load %arg1[%get3A_14, %get3A_15, %get3A_16] : memref<3x128x640xf32, #tpu.memory_space<vmem>>, vector<3x128x640xf32>
    %reshape3A_18 = vector.shape_cast %get3A_17 : vector<3x128x640xf32> to vector<384x640xf32>
    %concatenate3A_19 = tpu.concatenate %reshape3A, %concatenate3A, %reshape3A_18 in 0 : vector<384x640xf32>, vector<384x640xf32>, vector<384x640xf32> -> vector<1152x640xf32>
    %get3A_20 = arith.constant 0 : index
    %get3A_21 = arith.constant 0 : index
    %get3A_22 = vector.load %arg12[%get3A_20, %get3A_21] : memref<3x640xf32, #tpu.memory_space<vmem>>, vector<1x640xf32>
    %get3A_23 = vector.shape_cast %get3A_22 : vector<1x640xf32> to vector<640xf32>
    %broadcast_in_dim3A_24 = vector.shape_cast %get3A_23 : vector<640xf32> to vector<1x640xf32>
    %slice3A = vector.extract_strided_slice %concatenate3A_19 {offsets = [0, 0], sizes = [384, 640], strides = [1, 1]} : vector<1152x640xf32> to vector<384x640xf32>
    %slice3A_25 = vector.extract_strided_slice %concatenate3A_19 {offsets = [384, 0], sizes = [384, 640], strides = [1, 1]} : vector<1152x640xf32> to vector<384x640xf32>
    %slice3A_26 = vector.extract_strided_slice %concatenate3A_19 {offsets = [768, 0], sizes = [384, 640], strides = [1, 1]} : vector<1152x640xf32> to vector<384x640xf32>
    %get3A_27 = arith.constant 0 : index
    %get3A_28 = arith.constant 0 : index
    %get3A_29 = arith.constant 0 : index
    %get3A_30 = vector.load %arg5[%get3A_27, %get3A_28, %get3A_29] : memref<3x640x640xf32, #tpu.memory_space<vmem>>, vector<1x640x640xf32>
    %get3A_31 = vector.shape_cast %get3A_30 : vector<1x640x640xf32> to vector<640x640xf32>
    %dot_general3A = arith.constant dense<0.000000e+00> : vector<384x640xf32>
    %dot_general3A_32 = tpu.matmul %slice3A, %get3A_31, %dot_general3A {dimension_numbers = #tpu.dot_dimension_numbers<[1], [0], [0], [1], [0, 0, 1, 1], [], []>, transpose_lhs_hint = false} : vector<384x640xf32>, vector<640x640xf32>, vector<384x640xf32> -> vector<384x640xf32>
    %get3A_33 = arith.constant 0 : index
    %get3A_34 = arith.constant 0 : index
    %get3A_35 = vector.load %arg9[%get3A_33, %get3A_34] : memref<3x640xf32, #tpu.memory_space<vmem>>, vector<1x640xf32>
    %get3A_36 = vector.shape_cast %get3A_35 : vector<1x640xf32> to vector<640xf32>
    %broadcast_in_dim3A_37 = vector.shape_cast %get3A_36 : vector<640xf32> to vector<1x640xf32>
    %add3A = vector.broadcast %broadcast_in_dim3A_37 : vector<1x640xf32> to vector<384x640xf32>
    %add3A_38 = arith.addf %dot_general3A_32, %add3A : vector<384x640xf32>
    %get3A_39 = arith.constant 0 : index
    %get3A_40 = arith.constant 0 : index
    %get3A_41 = arith.constant 0 : index
    %get3A_42 = vector.load %arg5[%get3A_39, %get3A_40, %get3A_41] : memref<3x640x640xf32, #tpu.memory_space<vmem>>, vector<1x640x640xf32>
    %get3A_43 = vector.shape_cast %get3A_42 : vector<1x640x640xf32> to vector<640x640xf32>
    %dot_general3A_44 = arith.constant dense<0.000000e+00> : vector<384x640xf32>
    %dot_general3A_45 = tpu.matmul %slice3A_25, %get3A_43, %dot_general3A_44 {dimension_numbers = #tpu.dot_dimension_numbers<[1], [0], [0], [1], [0, 0, 1, 1], [], []>, transpose_lhs_hint = false} : vector<384x640xf32>, vector<640x640xf32>, vector<384x640xf32> -> vector<384x640xf32>
    %get3A_46 = arith.constant 0 : index
    %get3A_47 = arith.constant 0 : index
    %get3A_48 = vector.load %arg9[%get3A_46, %get3A_47] : memref<3x640xf32, #tpu.memory_space<vmem>>, vector<1x640xf32>
    %get3A_49 = vector.shape_cast %get3A_48 : vector<1x640xf32> to vector<640xf32>
    %broadcast_in_dim3A_50 = vector.shape_cast %get3A_49 : vector<640xf32> to vector<1x640xf32>
    %add3A_51 = vector.broadcast %broadcast_in_dim3A_50 : vector<1x640xf32> to vector<384x640xf32>
    %add3A_52 = arith.addf %dot_general3A_45, %add3A_51 : vector<384x640xf32>
    %get3A_53 = arith.constant 0 : index
    %get3A_54 = arith.constant 0 : index
    %get3A_55 = arith.constant 0 : index
    %get3A_56 = vector.load %arg5[%get3A_53, %get3A_54, %get3A_55] : memref<3x640x640xf32, #tpu.memory_space<vmem>>, vector<1x640x640xf32>
    %get3A_57 = vector.shape_cast %get3A_56 : vector<1x640x640xf32> to vector<640x640xf32>
    %dot_general3A_58 = arith.constant dense<0.000000e+00> : vector<384x640xf32>
    %dot_general3A_59 = tpu.matmul %slice3A_26, %get3A_57, %dot_general3A_58 {dimension_numbers = #tpu.dot_dimension_numbers<[1], [0], [0], [1], [0, 0, 1, 1], [], []>, transpose_lhs_hint = false} : vector<384x640xf32>, vector<640x640xf32>, vector<384x640xf32> -> vector<384x640xf32>
    %get3A_60 = arith.constant 0 : index
    %get3A_61 = arith.constant 0 : index
    %get3A_62 = vector.load %arg9[%get3A_60, %get3A_61] : memref<3x640xf32, #tpu.memory_space<vmem>>, vector<1x640xf32>
    %get3A_63 = vector.shape_cast %get3A_62 : vector<1x640xf32> to vector<640xf32>
    %broadcast_in_dim3A_64 = vector.shape_cast %get3A_63 : vector<640xf32> to vector<1x640xf32>
    %add3A_65 = vector.broadcast %broadcast_in_dim3A_64 : vector<1x640xf32> to vector<384x640xf32>
    %add3A_66 = arith.addf %dot_general3A_59, %add3A_65 : vector<384x640xf32>
    %get3A_67 = arith.constant 0 : index
    %get3A_68 = arith.constant 0 : index
    %get3A_69 = arith.constant 0 : index
    %get3A_70 = vector.load %arg6[%get3A_67, %get3A_68, %get3A_69] : memref<3x640x640xf32, #tpu.memory_space<vmem>>, vector<1x640x640xf32>
    %get3A_71 = vector.shape_cast %get3A_70 : vector<1x640x640xf32> to vector<640x640xf32>
    %dot_general3A_72 = arith.constant dense<0.000000e+00> : vector<384x640xf32>
    %dot_general3A_73 = tpu.matmul %slice3A, %get3A_71, %dot_general3A_72 {dimension_numbers = #tpu.dot_dimension_numbers<[1], [0], [0], [1], [0, 0, 1, 1], [], []>, transpose_lhs_hint = false} : vector<384x640xf32>, vector<640x640xf32>, vector<384x640xf32> -> vector<384x640xf32>
    %get3A_74 = arith.constant 0 : index
    %get3A_75 = arith.constant 0 : index
    %get3A_76 = vector.load %arg10[%get3A_74, %get3A_75] : memref<3x640xf32, #tpu.memory_space<vmem>>, vector<1x640xf32>
    %get3A_77 = vector.shape_cast %get3A_76 : vector<1x640xf32> to vector<640xf32>
    %broadcast_in_dim3A_78 = vector.shape_cast %get3A_77 : vector<640xf32> to vector<1x640xf32>
    %add3A_79 = vector.broadcast %broadcast_in_dim3A_78 : vector<1x640xf32> to vector<384x640xf32>
    %add3A_80 = arith.addf %dot_general3A_73, %add3A_79 : vector<384x640xf32>
    %convert_element_type3A = arith.truncf %add3A_80 : vector<384x640xf32> to vector<384x640xbf16>
    %convert_element_type3A_81 = arith.extf %convert_element_type3A : vector<384x640xbf16> to vector<384x640xf32>
    %get3A_82 = arith.constant 0 : index
    %get3A_83 = arith.constant 0 : index
    %get3A_84 = arith.constant 0 : index
    %get3A_85 = vector.load %arg6[%get3A_82, %get3A_83, %get3A_84] : memref<3x640x640xf32, #tpu.memory_space<vmem>>, vector<1x640x640xf32>
    %get3A_86 = vector.shape_cast %get3A_85 : vector<1x640x640xf32> to vector<640x640xf32>
    %dot_general3A_87 = arith.constant dense<0.000000e+00> : vector<384x640xf32>
    %dot_general3A_88 = tpu.matmul %slice3A_25, %get3A_86, %dot_general3A_87 {dimension_numbers = #tpu.dot_dimension_numbers<[1], [0], [0], [1], [0, 0, 1, 1], [], []>, transpose_lhs_hint = false} : vector<384x640xf32>, vector<640x640xf32>, vector<384x640xf32> -> vector<384x640xf32>
    %get3A_89 = arith.constant 0 : index
    %get3A_90 = arith.constant 0 : index
    %get3A_91 = vector.load %arg10[%get3A_89, %get3A_90] : memref<3x640xf32, #tpu.memory_space<vmem>>, vector<1x640xf32>
    %get3A_92 = vector.shape_cast %get3A_91 : vector<1x640xf32> to vector<640xf32>
    %broadcast_in_dim3A_93 = vector.shape_cast %get3A_92 : vector<640xf32> to vector<1x640xf32>
    %add3A_94 = vector.broadcast %broadcast_in_dim3A_93 : vector<1x640xf32> to vector<384x640xf32>
    %add3A_95 = arith.addf %dot_general3A_88, %add3A_94 : vector<384x640xf32>
    %convert_element_type3A_96 = arith.truncf %add3A_95 : vector<384x640xf32> to vector<384x640xbf16>
    %convert_element_type3A_97 = arith.extf %convert_element_type3A_96 : vector<384x640xbf16> to vector<384x640xf32>
    %get3A_98 = arith.constant 0 : index
    %get3A_99 = arith.constant 0 : index
    %get3A_100 = arith.constant 0 : index
    %get3A_101 = vector.load %arg6[%get3A_98, %get3A_99, %get3A_100] : memref<3x640x640xf32, #tpu.memory_space<vmem>>, vector<1x640x640xf32>
    %get3A_102 = vector.shape_cast %get3A_101 : vector<1x640x640xf32> to vector<640x640xf32>
    %dot_general3A_103 = arith.constant dense<0.000000e+00> : vector<384x640xf32>
    %dot_general3A_104 = tpu.matmul %slice3A_26, %get3A_102, %dot_general3A_103 {dimension_numbers = #tpu.dot_dimension_numbers<[1], [0], [0], [1], [0, 0, 1, 1], [], []>, transpose_lhs_hint = false} : vector<384x640xf32>, vector<640x640xf32>, vector<384x640xf32> -> vector<384x640xf32>
    %get3A_105 = arith.constant 0 : index
    %get3A_106 = arith.constant 0 : index
    %get3A_107 = vector.load %arg10[%get3A_105, %get3A_106] : memref<3x640xf32, #tpu.memory_space<vmem>>, vector<1x640xf32>
    %get3A_108 = vector.shape_cast %get3A_107 : vector<1x640xf32> to vector<640xf32>
    %broadcast_in_dim3A_109 = vector.shape_cast %get3A_108 : vector<640xf32> to vector<1x640xf32>
    %add3A_110 = vector.broadcast %broadcast_in_dim3A_109 : vector<1x640xf32> to vector<384x640xf32>
    %add3A_111 = arith.addf %dot_general3A_104, %add3A_110 : vector<384x640xf32>
    %convert_element_type3A_112 = arith.truncf %add3A_111 : vector<384x640xf32> to vector<384x640xbf16>
    %convert_element_type3A_113 = arith.extf %convert_element_type3A_112 : vector<384x640xbf16> to vector<384x640xf32>
    %get3A_114 = arith.constant 0 : index
    %get3A_115 = arith.constant 0 : index
    %get3A_116 = arith.constant 0 : index
    %get3A_117 = vector.load %arg7[%get3A_114, %get3A_115, %get3A_116] : memref<3x640x640xf32, #tpu.memory_space<vmem>>, vector<1x640x640xf32>
    %get3A_118 = vector.shape_cast %get3A_117 : vector<1x640x640xf32> to vector<640x640xf32>
    %dot_general3A_119 = arith.constant dense<0.000000e+00> : vector<384x640xf32>
    %dot_general3A_120 = tpu.matmul %slice3A, %get3A_118, %dot_general3A_119 {dimension_numbers = #tpu.dot_dimension_numbers<[1], [0], [0], [1], [0, 0, 1, 1], [], []>, transpose_lhs_hint = false} : vector<384x640xf32>, vector<640x640xf32>, vector<384x640xf32> -> vector<384x640xf32>
    %get3A_121 = arith.constant 0 : index
    %get3A_122 = arith.constant 0 : index
    %get3A_123 = vector.load %arg11[%get3A_121, %get3A_122] : memref<3x640xf32, #tpu.memory_space<vmem>>, vector<1x640xf32>
    %get3A_124 = vector.shape_cast %get3A_123 : vector<1x640xf32> to vector<640xf32>
    %broadcast_in_dim3A_125 = vector.shape_cast %get3A_124 : vector<640xf32> to vector<1x640xf32>
    %add3A_126 = vector.broadcast %broadcast_in_dim3A_125 : vector<1x640xf32> to vector<384x640xf32>
    %add3A_127 = arith.addf %dot_general3A_120, %add3A_126 : vector<384x640xf32>
    %convert_element_type3A_128 = arith.truncf %add3A_127 : vector<384x640xf32> to vector<384x640xbf16>
    %convert_element_type3A_129 = arith.extf %convert_element_type3A_128 : vector<384x640xbf16> to vector<384x640xf32>
    %get3A_130 = arith.constant 0 : index
    %get3A_131 = arith.constant 0 : index
    %get3A_132 = arith.constant 0 : index
    %get3A_133 = vector.load %arg7[%get3A_130, %get3A_131, %get3A_132] : memref<3x640x640xf32, #tpu.memory_space<vmem>>, vector<1x640x640xf32>
    %get3A_134 = vector.shape_cast %get3A_133 : vector<1x640x640xf32> to vector<640x640xf32>
    %dot_general3A_135 = arith.constant dense<0.000000e+00> : vector<384x640xf32>
    %dot_general3A_136 = tpu.matmul %slice3A_25, %get3A_134, %dot_general3A_135 {dimension_numbers = #tpu.dot_dimension_numbers<[1], [0], [0], [1], [0, 0, 1, 1], [], []>, transpose_lhs_hint = false} : vector<384x640xf32>, vector<640x640xf32>, vector<384x640xf32> -> vector<384x640xf32>
    %get3A_137 = arith.constant 0 : index
    %get3A_138 = arith.constant 0 : index
    %get3A_139 = vector.load %arg11[%get3A_137, %get3A_138] : memref<3x640xf32, #tpu.memory_space<vmem>>, vector<1x640xf32>
    %get3A_140 = vector.shape_cast %get3A_139 : vector<1x640xf32> to vector<640xf32>
    %broadcast_in_dim3A_141 = vector.shape_cast %get3A_140 : vector<640xf32> to vector<1x640xf32>
    %add3A_142 = vector.broadcast %broadcast_in_dim3A_141 : vector<1x640xf32> to vector<384x640xf32>
    %add3A_143 = arith.addf %dot_general3A_136, %add3A_142 : vector<384x640xf32>
    %convert_element_type3A_144 = arith.truncf %add3A_143 : vector<384x640xf32> to vector<384x640xbf16>
    %convert_element_type3A_145 = arith.extf %convert_element_type3A_144 : vector<384x640xbf16> to vector<384x640xf32>
    %get3A_146 = arith.constant 0 : index
    %get3A_147 = arith.constant 0 : index
    %get3A_148 = arith.constant 0 : index
    %get3A_149 = vector.load %arg7[%get3A_146, %get3A_147, %get3A_148] : memref<3x640x640xf32, #tpu.memory_space<vmem>>, vector<1x640x640xf32>
    %get3A_150 = vector.shape_cast %get3A_149 : vector<1x640x640xf32> to vector<640x640xf32>
    %dot_general3A_151 = arith.constant dense<0.000000e+00> : vector<384x640xf32>
    %dot_general3A_152 = tpu.matmul %slice3A_26, %get3A_150, %dot_general3A_151 {dimension_numbers = #tpu.dot_dimension_numbers<[1], [0], [0], [1], [0, 0, 1, 1], [], []>, transpose_lhs_hint = false} : vector<384x640xf32>, vector<640x640xf32>, vector<384x640xf32> -> vector<384x640xf32>
    %get3A_153 = arith.constant 0 : index
    %get3A_154 = arith.constant 0 : index
    %get3A_155 = vector.load %arg11[%get3A_153, %get3A_154] : memref<3x640xf32, #tpu.memory_space<vmem>>, vector<1x640xf32>
    %get3A_156 = vector.shape_cast %get3A_155 : vector<1x640xf32> to vector<640xf32>
    %broadcast_in_dim3A_157 = vector.shape_cast %get3A_156 : vector<640xf32> to vector<1x640xf32>
    %add3A_158 = vector.broadcast %broadcast_in_dim3A_157 : vector<1x640xf32> to vector<384x640xf32>
    %add3A_159 = arith.addf %dot_general3A_152, %add3A_158 : vector<384x640xf32>
    %convert_element_type3A_160 = arith.truncf %add3A_159 : vector<384x640xf32> to vector<384x640xbf16>
    %convert_element_type3A_161 = arith.extf %convert_element_type3A_160 : vector<384x640xbf16> to vector<384x640xf32>
    %convert_element_type3A_162 = arith.truncf %add3A_38 : vector<384x640xf32> to vector<384x640xbf16>
    %convert_element_type3A_163 = arith.extf %convert_element_type3A_162 : vector<384x640xbf16> to vector<384x640xf32>
    %mul3A_164 = arith.mulf %convert_element_type3A_163, %convert_element_type3A_81 : vector<384x640xf32>
    %reduce_sum3A = arith.constant dense<0.000000e+00> : vector<384xf32>
    %reduce_sum3A_165 = vector.multi_reduction <add>, %mul3A_164, %reduce_sum3A [1] : vector<384x640xf32> to vector<384xf32>
    %broadcast_in_dim3A_166 = vector.shape_cast %reduce_sum3A_165 : vector<384xf32> to vector<384x1xf32>
    %mul3A_167 = arith.constant 0.111803398 : f32
    %mul3A_168 = vector.broadcast %mul3A_167 : f32 to vector<384x1xf32>
    %mul3A_169 = arith.mulf %broadcast_in_dim3A_166, %mul3A_168 : vector<384x1xf32>
    %mul3A_170 = arith.mulf %convert_element_type3A_163, %convert_element_type3A_97 : vector<384x640xf32>
    %reduce_sum3A_171 = arith.constant dense<0.000000e+00> : vector<384xf32>
    %reduce_sum3A_172 = vector.multi_reduction <add>, %mul3A_170, %reduce_sum3A_171 [1] : vector<384x640xf32> to vector<384xf32>
    %broadcast_in_dim3A_173 = vector.shape_cast %reduce_sum3A_172 : vector<384xf32> to vector<384x1xf32>
    %mul3A_174 = arith.constant 0.111803398 : f32
    %mul3A_175 = vector.broadcast %mul3A_174 : f32 to vector<384x1xf32>
    %mul3A_176 = arith.mulf %broadcast_in_dim3A_173, %mul3A_175 : vector<384x1xf32>
    %mul3A_177 = arith.mulf %convert_element_type3A_163, %convert_element_type3A_113 : vector<384x640xf32>
    %reduce_sum3A_178 = arith.constant dense<0.000000e+00> : vector<384xf32>
    %reduce_sum3A_179 = vector.multi_reduction <add>, %mul3A_177, %reduce_sum3A_178 [1] : vector<384x640xf32> to vector<384xf32>
    %broadcast_in_dim3A_180 = vector.shape_cast %reduce_sum3A_179 : vector<384xf32> to vector<384x1xf32>
    %mul3A_181 = arith.constant 0.111803398 : f32
    %mul3A_182 = vector.broadcast %mul3A_181 : f32 to vector<384x1xf32>
    %mul3A_183 = arith.mulf %broadcast_in_dim3A_180, %mul3A_182 : vector<384x1xf32>
    %max3A = arith.maximumf %mul3A_169, %mul3A_176 : vector<384x1xf32>
    %max3A_184 = arith.maximumf %max3A, %mul3A_183 : vector<384x1xf32>
    %sub3A = arith.subf %mul3A_169, %max3A_184 : vector<384x1xf32>
    %exp3A = math.exp %sub3A : vector<384x1xf32>
    %sub3A_185 = arith.subf %mul3A_176, %max3A_184 : vector<384x1xf32>
    %exp3A_186 = math.exp %sub3A_185 : vector<384x1xf32>
    %sub3A_187 = arith.subf %mul3A_183, %max3A_184 : vector<384x1xf32>
    %exp3A_188 = math.exp %sub3A_187 : vector<384x1xf32>
    %add3A_189 = arith.addf %exp3A, %exp3A_186 : vector<384x1xf32>
    %add3A_190 = arith.addf %add3A_189, %exp3A_188 : vector<384x1xf32>
    %div3A = arith.divf %exp3A, %add3A_190 : vector<384x1xf32>
    %convert_element_type3A_191 = arith.truncf %div3A : vector<384x1xf32> to vector<384x1xbf16>
    %convert_element_type3A_192 = arith.extf %convert_element_type3A_191 : vector<384x1xbf16> to vector<384x1xf32>
    %div3A_193 = arith.divf %exp3A_186, %add3A_190 : vector<384x1xf32>
    %convert_element_type3A_194 = arith.truncf %div3A_193 : vector<384x1xf32> to vector<384x1xbf16>
    %convert_element_type3A_195 = arith.extf %convert_element_type3A_194 : vector<384x1xbf16> to vector<384x1xf32>
    %div3A_196 = arith.divf %exp3A_188, %add3A_190 : vector<384x1xf32>
    %convert_element_type3A_197 = arith.truncf %div3A_196 : vector<384x1xf32> to vector<384x1xbf16>
    %convert_element_type3A_198 = arith.extf %convert_element_type3A_197 : vector<384x1xbf16> to vector<384x1xf32>
    %mul3A_199 = vector.broadcast %convert_element_type3A_192 : vector<384x1xf32> to vector<384x640xf32>
    %mul3A_200 = arith.mulf %mul3A_199, %convert_element_type3A_129 : vector<384x640xf32>
    %mul3A_201 = vector.broadcast %convert_element_type3A_195 : vector<384x1xf32> to vector<384x640xf32>
    %mul3A_202 = arith.mulf %mul3A_201, %convert_element_type3A_145 : vector<384x640xf32>
    %add3A_203 = arith.addf %mul3A_200, %mul3A_202 : vector<384x640xf32>
    %mul3A_204 = vector.broadcast %convert_element_type3A_198 : vector<384x1xf32> to vector<384x640xf32>
    %mul3A_205 = arith.mulf %mul3A_204, %convert_element_type3A_161 : vector<384x640xf32>
    %add3A_206 = arith.addf %add3A_203, %mul3A_205 : vector<384x640xf32>
    %convert_element_type3A_207 = arith.truncf %add3A_52 : vector<384x640xf32> to vector<384x640xbf16>
    %convert_element_type3A_208 = arith.extf %convert_element_type3A_207 : vector<384x640xbf16> to vector<384x640xf32>
    %mul3A_209 = arith.mulf %convert_element_type3A_208, %convert_element_type3A_81 : vector<384x640xf32>
    %reduce_sum3A_210 = arith.constant dense<0.000000e+00> : vector<384xf32>
    %reduce_sum3A_211 = vector.multi_reduction <add>, %mul3A_209, %reduce_sum3A_210 [1] : vector<384x640xf32> to vector<384xf32>
    %broadcast_in_dim3A_212 = vector.shape_cast %reduce_sum3A_211 : vector<384xf32> to vector<384x1xf32>
    %mul3A_213 = arith.constant 0.111803398 : f32
    %mul3A_214 = vector.broadcast %mul3A_213 : f32 to vector<384x1xf32>
    %mul3A_215 = arith.mulf %broadcast_in_dim3A_212, %mul3A_214 : vector<384x1xf32>
    %mul3A_216 = arith.mulf %convert_element_type3A_208, %convert_element_type3A_97 : vector<384x640xf32>
    %reduce_sum3A_217 = arith.constant dense<0.000000e+00> : vector<384xf32>
    %reduce_sum3A_218 = vector.multi_reduction <add>, %mul3A_216, %reduce_sum3A_217 [1] : vector<384x640xf32> to vector<384xf32>
    %broadcast_in_dim3A_219 = vector.shape_cast %reduce_sum3A_218 : vector<384xf32> to vector<384x1xf32>
    %mul3A_220 = arith.constant 0.111803398 : f32
    %mul3A_221 = vector.broadcast %mul3A_220 : f32 to vector<384x1xf32>
    %mul3A_222 = arith.mulf %broadcast_in_dim3A_219, %mul3A_221 : vector<384x1xf32>
    %mul3A_223 = arith.mulf %convert_element_type3A_208, %convert_element_type3A_113 : vector<384x640xf32>
    %reduce_sum3A_224 = arith.constant dense<0.000000e+00> : vector<384xf32>
    %reduce_sum3A_225 = vector.multi_reduction <add>, %mul3A_223, %reduce_sum3A_224 [1] : vector<384x640xf32> to vector<384xf32>
    %broadcast_in_dim3A_226 = vector.shape_cast %reduce_sum3A_225 : vector<384xf32> to vector<384x1xf32>
    %mul3A_227 = arith.constant 0.111803398 : f32
    %mul3A_228 = vector.broadcast %mul3A_227 : f32 to vector<384x1xf32>
    %mul3A_229 = arith.mulf %broadcast_in_dim3A_226, %mul3A_228 : vector<384x1xf32>
    %max3A_230 = arith.maximumf %mul3A_215, %mul3A_222 : vector<384x1xf32>
    %max3A_231 = arith.maximumf %max3A_230, %mul3A_229 : vector<384x1xf32>
    %sub3A_232 = arith.subf %mul3A_215, %max3A_231 : vector<384x1xf32>
    %exp3A_233 = math.exp %sub3A_232 : vector<384x1xf32>
    %sub3A_234 = arith.subf %mul3A_222, %max3A_231 : vector<384x1xf32>
    %exp3A_235 = math.exp %sub3A_234 : vector<384x1xf32>
    %sub3A_236 = arith.subf %mul3A_229, %max3A_231 : vector<384x1xf32>
    %exp3A_237 = math.exp %sub3A_236 : vector<384x1xf32>
    %add3A_238 = arith.addf %exp3A_233, %exp3A_235 : vector<384x1xf32>
    %add3A_239 = arith.addf %add3A_238, %exp3A_237 : vector<384x1xf32>
    %div3A_240 = arith.divf %exp3A_233, %add3A_239 : vector<384x1xf32>
    %convert_element_type3A_241 = arith.truncf %div3A_240 : vector<384x1xf32> to vector<384x1xbf16>
    %convert_element_type3A_242 = arith.extf %convert_element_type3A_241 : vector<384x1xbf16> to vector<384x1xf32>
    %div3A_243 = arith.divf %exp3A_235, %add3A_239 : vector<384x1xf32>
    %convert_element_type3A_244 = arith.truncf %div3A_243 : vector<384x1xf32> to vector<384x1xbf16>
    %convert_element_type3A_245 = arith.extf %convert_element_type3A_244 : vector<384x1xbf16> to vector<384x1xf32>
    %div3A_246 = arith.divf %exp3A_237, %add3A_239 : vector<384x1xf32>
    %convert_element_type3A_247 = arith.truncf %div3A_246 : vector<384x1xf32> to vector<384x1xbf16>
    %convert_element_type3A_248 = arith.extf %convert_element_type3A_247 : vector<384x1xbf16> to vector<384x1xf32>
    %mul3A_249 = vector.broadcast %convert_element_type3A_242 : vector<384x1xf32> to vector<384x640xf32>
    %mul3A_250 = arith.mulf %mul3A_249, %convert_element_type3A_129 : vector<384x640xf32>
    %mul3A_251 = vector.broadcast %convert_element_type3A_245 : vector<384x1xf32> to vector<384x640xf32>
    %mul3A_252 = arith.mulf %mul3A_251, %convert_element_type3A_145 : vector<384x640xf32>
    %add3A_253 = arith.addf %mul3A_250, %mul3A_252 : vector<384x640xf32>
    %mul3A_254 = vector.broadcast %convert_element_type3A_248 : vector<384x1xf32> to vector<384x640xf32>
    %mul3A_255 = arith.mulf %mul3A_254, %convert_element_type3A_161 : vector<384x640xf32>
    %add3A_256 = arith.addf %add3A_253, %mul3A_255 : vector<384x640xf32>
    %convert_element_type3A_257 = arith.truncf %add3A_66 : vector<384x640xf32> to vector<384x640xbf16>
    %convert_element_type3A_258 = arith.extf %convert_element_type3A_257 : vector<384x640xbf16> to vector<384x640xf32>
    %mul3A_259 = arith.mulf %convert_element_type3A_258, %convert_element_type3A_81 : vector<384x640xf32>
    %reduce_sum3A_260 = arith.constant dense<0.000000e+00> : vector<384xf32>
    %reduce_sum3A_261 = vector.multi_reduction <add>, %mul3A_259, %reduce_sum3A_260 [1] : vector<384x640xf32> to vector<384xf32>
    %broadcast_in_dim3A_262 = vector.shape_cast %reduce_sum3A_261 : vector<384xf32> to vector<384x1xf32>
    %mul3A_263 = arith.constant 0.111803398 : f32
    %mul3A_264 = vector.broadcast %mul3A_263 : f32 to vector<384x1xf32>
    %mul3A_265 = arith.mulf %broadcast_in_dim3A_262, %mul3A_264 : vector<384x1xf32>
    %mul3A_266 = arith.mulf %convert_element_type3A_258, %convert_element_type3A_97 : vector<384x640xf32>
    %reduce_sum3A_267 = arith.constant dense<0.000000e+00> : vector<384xf32>
    %reduce_sum3A_268 = vector.multi_reduction <add>, %mul3A_266, %reduce_sum3A_267 [1] : vector<384x640xf32> to vector<384xf32>
    %broadcast_in_dim3A_269 = vector.shape_cast %reduce_sum3A_268 : vector<384xf32> to vector<384x1xf32>
    %mul3A_270 = arith.constant 0.111803398 : f32
    %mul3A_271 = vector.broadcast %mul3A_270 : f32 to vector<384x1xf32>
    %mul3A_272 = arith.mulf %broadcast_in_dim3A_269, %mul3A_271 : vector<384x1xf32>
    %mul3A_273 = arith.mulf %convert_element_type3A_258, %convert_element_type3A_113 : vector<384x640xf32>
    %reduce_sum3A_274 = arith.constant dense<0.000000e+00> : vector<384xf32>
    %reduce_sum3A_275 = vector.multi_reduction <add>, %mul3A_273, %reduce_sum3A_274 [1] : vector<384x640xf32> to vector<384xf32>
    %broadcast_in_dim3A_276 = vector.shape_cast %reduce_sum3A_275 : vector<384xf32> to vector<384x1xf32>
    %mul3A_277 = arith.constant 0.111803398 : f32
    %mul3A_278 = vector.broadcast %mul3A_277 : f32 to vector<384x1xf32>
    %mul3A_279 = arith.mulf %broadcast_in_dim3A_276, %mul3A_278 : vector<384x1xf32>
    %max3A_280 = arith.maximumf %mul3A_265, %mul3A_272 : vector<384x1xf32>
    %max3A_281 = arith.maximumf %max3A_280, %mul3A_279 : vector<384x1xf32>
    %sub3A_282 = arith.subf %mul3A_265, %max3A_281 : vector<384x1xf32>
    %exp3A_283 = math.exp %sub3A_282 : vector<384x1xf32>
    %sub3A_284 = arith.subf %mul3A_272, %max3A_281 : vector<384x1xf32>
    %exp3A_285 = math.exp %sub3A_284 : vector<384x1xf32>
    %sub3A_286 = arith.subf %mul3A_279, %max3A_281 : vector<384x1xf32>
    %exp3A_287 = math.exp %sub3A_286 : vector<384x1xf32>
    %add3A_288 = arith.addf %exp3A_283, %exp3A_285 : vector<384x1xf32>
    %add3A_289 = arith.addf %add3A_288, %exp3A_287 : vector<384x1xf32>
    %div3A_290 = arith.divf %exp3A_283, %add3A_289 : vector<384x1xf32>
    %convert_element_type3A_291 = arith.truncf %div3A_290 : vector<384x1xf32> to vector<384x1xbf16>
    %convert_element_type3A_292 = arith.extf %convert_element_type3A_291 : vector<384x1xbf16> to vector<384x1xf32>
    %div3A_293 = arith.divf %exp3A_285, %add3A_289 : vector<384x1xf32>
    %convert_element_type3A_294 = arith.truncf %div3A_293 : vector<384x1xf32> to vector<384x1xbf16>
    %convert_element_type3A_295 = arith.extf %convert_element_type3A_294 : vector<384x1xbf16> to vector<384x1xf32>
    %div3A_296 = arith.divf %exp3A_287, %add3A_289 : vector<384x1xf32>
    %convert_element_type3A_297 = arith.truncf %div3A_296 : vector<384x1xf32> to vector<384x1xbf16>
    %convert_element_type3A_298 = arith.extf %convert_element_type3A_297 : vector<384x1xbf16> to vector<384x1xf32>
    %mul3A_299 = vector.broadcast %convert_element_type3A_292 : vector<384x1xf32> to vector<384x640xf32>
    %mul3A_300 = arith.mulf %mul3A_299, %convert_element_type3A_129 : vector<384x640xf32>
    %mul3A_301 = vector.broadcast %convert_element_type3A_295 : vector<384x1xf32> to vector<384x640xf32>
    %mul3A_302 = arith.mulf %mul3A_301, %convert_element_type3A_145 : vector<384x640xf32>
    %add3A_303 = arith.addf %mul3A_300, %mul3A_302 : vector<384x640xf32>
    %mul3A_304 = vector.broadcast %convert_element_type3A_298 : vector<384x1xf32> to vector<384x640xf32>
    %mul3A_305 = arith.mulf %mul3A_304, %convert_element_type3A_161 : vector<384x640xf32>
    %add3A_306 = arith.addf %add3A_303, %mul3A_305 : vector<384x640xf32>
    %concatenate3A_307 = tpu.concatenate %add3A_206, %add3A_256, %add3A_306 in 0 : vector<384x640xf32>, vector<384x640xf32>, vector<384x640xf32> -> vector<1152x640xf32>
    %get3A_308 = arith.constant 0 : index
    %get3A_309 = arith.constant 0 : index
    %get3A_310 = arith.constant 0 : index
    %get3A_311 = vector.load %arg8[%get3A_308, %get3A_309, %get3A_310] : memref<3x640x640xf32, #tpu.memory_space<vmem>>, vector<1x640x640xf32>
    %get3A_312 = vector.shape_cast %get3A_311 : vector<1x640x640xf32> to vector<640x640xf32>
    %dot_general3A_313 = arith.constant dense<0.000000e+00> : vector<1152x640xf32>
    %dot_general3A_314 = tpu.matmul %concatenate3A_307, %get3A_312, %dot_general3A_313 {dimension_numbers = #tpu.dot_dimension_numbers<[1], [0], [0], [1], [0, 0, 1, 1], [], []>, transpose_lhs_hint = false} : vector<1152x640xf32>, vector<640x640xf32>, vector<1152x640xf32> -> vector<1152x640xf32>
    %add3A_315 = vector.broadcast %broadcast_in_dim3A_24 : vector<1x640xf32> to vector<1152x640xf32>
    %add3A_316 = arith.addf %dot_general3A_314, %add3A_315 : vector<1152x640xf32>
    %get3A_317 = arith.constant 1 : index
    %get3A_318 = arith.constant 0 : index
    %get3A_319 = vector.load %arg12[%get3A_317, %get3A_318] : memref<3x640xf32, #tpu.memory_space<vmem>>, vector<1x640xf32>
    %get3A_320 = vector.shape_cast %get3A_319 : vector<1x640xf32> to vector<640xf32>
    %broadcast_in_dim3A_321 = vector.shape_cast %get3A_320 : vector<640xf32> to vector<1x640xf32>
    %slice3A_322 = vector.extract_strided_slice %add3A_316 {offsets = [0, 0], sizes = [384, 640], strides = [1, 1]} : vector<1152x640xf32> to vector<384x640xf32>
    %slice3A_323 = vector.extract_strided_slice %add3A_316 {offsets = [384, 0], sizes = [384, 640], strides = [1, 1]} : vector<1152x640xf32> to vector<384x640xf32>
    %slice3A_324 = vector.extract_strided_slice %add3A_316 {offsets = [768, 0], sizes = [384, 640], strides = [1, 1]} : vector<1152x640xf32> to vector<384x640xf32>
    %get3A_325 = arith.constant 1 : index
    %get3A_326 = arith.constant 0 : index
    %get3A_327 = arith.constant 0 : index
    %get3A_328 = vector.load %arg5[%get3A_325, %get3A_326, %get3A_327] : memref<3x640x640xf32, #tpu.memory_space<vmem>>, vector<1x640x640xf32>
    %get3A_329 = vector.shape_cast %get3A_328 : vector<1x640x640xf32> to vector<640x640xf32>
    %dot_general3A_330 = arith.constant dense<0.000000e+00> : vector<384x640xf32>
    %dot_general3A_331 = tpu.matmul %slice3A_322, %get3A_329, %dot_general3A_330 {dimension_numbers = #tpu.dot_dimension_numbers<[1], [0], [0], [1], [0, 0, 1, 1], [], []>, transpose_lhs_hint = false} : vector<384x640xf32>, vector<640x640xf32>, vector<384x640xf32> -> vector<384x640xf32>
    %get3A_332 = arith.constant 1 : index
    %get3A_333 = arith.constant 0 : index
    %get3A_334 = vector.load %arg9[%get3A_332, %get3A_333] : memref<3x640xf32, #tpu.memory_space<vmem>>, vector<1x640xf32>
    %get3A_335 = vector.shape_cast %get3A_334 : vector<1x640xf32> to vector<640xf32>
    %broadcast_in_dim3A_336 = vector.shape_cast %get3A_335 : vector<640xf32> to vector<1x640xf32>
    %add3A_337 = vector.broadcast %broadcast_in_dim3A_336 : vector<1x640xf32> to vector<384x640xf32>
    %add3A_338 = arith.addf %dot_general3A_331, %add3A_337 : vector<384x640xf32>
    %get3A_339 = arith.constant 1 : index
    %get3A_340 = arith.constant 0 : index
    %get3A_341 = arith.constant 0 : index
    %get3A_342 = vector.load %arg5[%get3A_339, %get3A_340, %get3A_341] : memref<3x640x640xf32, #tpu.memory_space<vmem>>, vector<1x640x640xf32>
    %get3A_343 = vector.shape_cast %get3A_342 : vector<1x640x640xf32> to vector<640x640xf32>
    %dot_general3A_344 = arith.constant dense<0.000000e+00> : vector<384x640xf32>
    %dot_general3A_345 = tpu.matmul %slice3A_323, %get3A_343, %dot_general3A_344 {dimension_numbers = #tpu.dot_dimension_numbers<[1], [0], [0], [1], [0, 0, 1, 1], [], []>, transpose_lhs_hint = false} : vector<384x640xf32>, vector<640x640xf32>, vector<384x640xf32> -> vector<384x640xf32>
    %get3A_346 = arith.constant 1 : index
    %get3A_347 = arith.constant 0 : index
    %get3A_348 = vector.load %arg9[%get3A_346, %get3A_347] : memref<3x640xf32, #tpu.memory_space<vmem>>, vector<1x640xf32>
    %get3A_349 = vector.shape_cast %get3A_348 : vector<1x640xf32> to vector<640xf32>
    %broadcast_in_dim3A_350 = vector.shape_cast %get3A_349 : vector<640xf32> to vector<1x640xf32>
    %add3A_351 = vector.broadcast %broadcast_in_dim3A_350 : vector<1x640xf32> to vector<384x640xf32>
    %add3A_352 = arith.addf %dot_general3A_345, %add3A_351 : vector<384x640xf32>
    %get3A_353 = arith.constant 1 : index
    %get3A_354 = arith.constant 0 : index
    %get3A_355 = arith.constant 0 : index
    %get3A_356 = vector.load %arg5[%get3A_353, %get3A_354, %get3A_355] : memref<3x640x640xf32, #tpu.memory_space<vmem>>, vector<1x640x640xf32>
    %get3A_357 = vector.shape_cast %get3A_356 : vector<1x640x640xf32> to vector<640x640xf32>
    %dot_general3A_358 = arith.constant dense<0.000000e+00> : vector<384x640xf32>
    %dot_general3A_359 = tpu.matmul %slice3A_324, %get3A_357, %dot_general3A_358 {dimension_numbers = #tpu.dot_dimension_numbers<[1], [0], [0], [1], [0, 0, 1, 1], [], []>, transpose_lhs_hint = false} : vector<384x640xf32>, vector<640x640xf32>, vector<384x640xf32> -> vector<384x640xf32>
    %get3A_360 = arith.constant 1 : index
    %get3A_361 = arith.constant 0 : index
    %get3A_362 = vector.load %arg9[%get3A_360, %get3A_361] : memref<3x640xf32, #tpu.memory_space<vmem>>, vector<1x640xf32>
    %get3A_363 = vector.shape_cast %get3A_362 : vector<1x640xf32> to vector<640xf32>
    %broadcast_in_dim3A_364 = vector.shape_cast %get3A_363 : vector<640xf32> to vector<1x640xf32>
    %add3A_365 = vector.broadcast %broadcast_in_dim3A_364 : vector<1x640xf32> to vector<384x640xf32>
    %add3A_366 = arith.addf %dot_general3A_359, %add3A_365 : vector<384x640xf32>
    %get3A_367 = arith.constant 1 : index
    %get3A_368 = arith.constant 0 : index
    %get3A_369 = arith.constant 0 : index
    %get3A_370 = vector.load %arg6[%get3A_367, %get3A_368, %get3A_369] : memref<3x640x640xf32, #tpu.memory_space<vmem>>, vector<1x640x640xf32>
    %get3A_371 = vector.shape_cast %get3A_370 : vector<1x640x640xf32> to vector<640x640xf32>
    %dot_general3A_372 = arith.constant dense<0.000000e+00> : vector<384x640xf32>
    %dot_general3A_373 = tpu.matmul %slice3A_322, %get3A_371, %dot_general3A_372 {dimension_numbers = #tpu.dot_dimension_numbers<[1], [0], [0], [1], [0, 0, 1, 1], [], []>, transpose_lhs_hint = false} : vector<384x640xf32>, vector<640x640xf32>, vector<384x640xf32> -> vector<384x640xf32>
    %get3A_374 = arith.constant 1 : index
    %get3A_375 = arith.constant 0 : index
    %get3A_376 = vector.load %arg10[%get3A_374, %get3A_375] : memref<3x640xf32, #tpu.memory_space<vmem>>, vector<1x640xf32>
    %get3A_377 = vector.shape_cast %get3A_376 : vector<1x640xf32> to vector<640xf32>
    %broadcast_in_dim3A_378 = vector.shape_cast %get3A_377 : vector<640xf32> to vector<1x640xf32>
    %add3A_379 = vector.broadcast %broadcast_in_dim3A_378 : vector<1x640xf32> to vector<384x640xf32>
    %add3A_380 = arith.addf %dot_general3A_373, %add3A_379 : vector<384x640xf32>
    %convert_element_type3A_381 = arith.truncf %add3A_380 : vector<384x640xf32> to vector<384x640xbf16>
    %convert_element_type3A_382 = arith.extf %convert_element_type3A_381 : vector<384x640xbf16> to vector<384x640xf32>
    %get3A_383 = arith.constant 1 : index
    %get3A_384 = arith.constant 0 : index
    %get3A_385 = arith.constant 0 : index
    %get3A_386 = vector.load %arg6[%get3A_383, %get3A_384, %get3A_385] : memref<3x640x640xf32, #tpu.memory_space<vmem>>, vector<1x640x640xf32>
    %get3A_387 = vector.shape_cast %get3A_386 : vector<1x640x640xf32> to vector<640x640xf32>
    %dot_general3A_388 = arith.constant dense<0.000000e+00> : vector<384x640xf32>
    %dot_general3A_389 = tpu.matmul %slice3A_323, %get3A_387, %dot_general3A_388 {dimension_numbers = #tpu.dot_dimension_numbers<[1], [0], [0], [1], [0, 0, 1, 1], [], []>, transpose_lhs_hint = false} : vector<384x640xf32>, vector<640x640xf32>, vector<384x640xf32> -> vector<384x640xf32>
    %get3A_390 = arith.constant 1 : index
    %get3A_391 = arith.constant 0 : index
    %get3A_392 = vector.load %arg10[%get3A_390, %get3A_391] : memref<3x640xf32, #tpu.memory_space<vmem>>, vector<1x640xf32>
    %get3A_393 = vector.shape_cast %get3A_392 : vector<1x640xf32> to vector<640xf32>
    %broadcast_in_dim3A_394 = vector.shape_cast %get3A_393 : vector<640xf32> to vector<1x640xf32>
    %add3A_395 = vector.broadcast %broadcast_in_dim3A_394 : vector<1x640xf32> to vector<384x640xf32>
    %add3A_396 = arith.addf %dot_general3A_389, %add3A_395 : vector<384x640xf32>
    %convert_element_type3A_397 = arith.truncf %add3A_396 : vector<384x640xf32> to vector<384x640xbf16>
    %convert_element_type3A_398 = arith.extf %convert_element_type3A_397 : vector<384x640xbf16> to vector<384x640xf32>
    %get3A_399 = arith.constant 1 : index
    %get3A_400 = arith.constant 0 : index
    %get3A_401 = arith.constant 0 : index
    %get3A_402 = vector.load %arg6[%get3A_399, %get3A_400, %get3A_401] : memref<3x640x640xf32, #tpu.memory_space<vmem>>, vector<1x640x640xf32>
    %get3A_403 = vector.shape_cast %get3A_402 : vector<1x640x640xf32> to vector<640x640xf32>
    %dot_general3A_404 = arith.constant dense<0.000000e+00> : vector<384x640xf32>
    %dot_general3A_405 = tpu.matmul %slice3A_324, %get3A_403, %dot_general3A_404 {dimension_numbers = #tpu.dot_dimension_numbers<[1], [0], [0], [1], [0, 0, 1, 1], [], []>, transpose_lhs_hint = false} : vector<384x640xf32>, vector<640x640xf32>, vector<384x640xf32> -> vector<384x640xf32>
    %get3A_406 = arith.constant 1 : index
    %get3A_407 = arith.constant 0 : index
    %get3A_408 = vector.load %arg10[%get3A_406, %get3A_407] : memref<3x640xf32, #tpu.memory_space<vmem>>, vector<1x640xf32>
    %get3A_409 = vector.shape_cast %get3A_408 : vector<1x640xf32> to vector<640xf32>
    %broadcast_in_dim3A_410 = vector.shape_cast %get3A_409 : vector<640xf32> to vector<1x640xf32>
    %add3A_411 = vector.broadcast %broadcast_in_dim3A_410 : vector<1x640xf32> to vector<384x640xf32>
    %add3A_412 = arith.addf %dot_general3A_405, %add3A_411 : vector<384x640xf32>
    %convert_element_type3A_413 = arith.truncf %add3A_412 : vector<384x640xf32> to vector<384x640xbf16>
    %convert_element_type3A_414 = arith.extf %convert_element_type3A_413 : vector<384x640xbf16> to vector<384x640xf32>
    %get3A_415 = arith.constant 1 : index
    %get3A_416 = arith.constant 0 : index
    %get3A_417 = arith.constant 0 : index
    %get3A_418 = vector.load %arg7[%get3A_415, %get3A_416, %get3A_417] : memref<3x640x640xf32, #tpu.memory_space<vmem>>, vector<1x640x640xf32>
    %get3A_419 = vector.shape_cast %get3A_418 : vector<1x640x640xf32> to vector<640x640xf32>
    %dot_general3A_420 = arith.constant dense<0.000000e+00> : vector<384x640xf32>
    %dot_general3A_421 = tpu.matmul %slice3A_322, %get3A_419, %dot_general3A_420 {dimension_numbers = #tpu.dot_dimension_numbers<[1], [0], [0], [1], [0, 0, 1, 1], [], []>, transpose_lhs_hint = false} : vector<384x640xf32>, vector<640x640xf32>, vector<384x640xf32> -> vector<384x640xf32>
    %get3A_422 = arith.constant 1 : index
    %get3A_423 = arith.constant 0 : index
    %get3A_424 = vector.load %arg11[%get3A_422, %get3A_423] : memref<3x640xf32, #tpu.memory_space<vmem>>, vector<1x640xf32>
    %get3A_425 = vector.shape_cast %get3A_424 : vector<1x640xf32> to vector<640xf32>
    %broadcast_in_dim3A_426 = vector.shape_cast %get3A_425 : vector<640xf32> to vector<1x640xf32>
    %add3A_427 = vector.broadcast %broadcast_in_dim3A_426 : vector<1x640xf32> to vector<384x640xf32>
    %add3A_428 = arith.addf %dot_general3A_421, %add3A_427 : vector<384x640xf32>
    %convert_element_type3A_429 = arith.truncf %add3A_428 : vector<384x640xf32> to vector<384x640xbf16>
    %convert_element_type3A_430 = arith.extf %convert_element_type3A_429 : vector<384x640xbf16> to vector<384x640xf32>
    %get3A_431 = arith.constant 1 : index
    %get3A_432 = arith.constant 0 : index
    %get3A_433 = arith.constant 0 : index
    %get3A_434 = vector.load %arg7[%get3A_431, %get3A_432, %get3A_433] : memref<3x640x640xf32, #tpu.memory_space<vmem>>, vector<1x640x640xf32>
    %get3A_435 = vector.shape_cast %get3A_434 : vector<1x640x640xf32> to vector<640x640xf32>
    %dot_general3A_436 = arith.constant dense<0.000000e+00> : vector<384x640xf32>
    %dot_general3A_437 = tpu.matmul %slice3A_323, %get3A_435, %dot_general3A_436 {dimension_numbers = #tpu.dot_dimension_numbers<[1], [0], [0], [1], [0, 0, 1, 1], [], []>, transpose_lhs_hint = false} : vector<384x640xf32>, vector<640x640xf32>, vector<384x640xf32> -> vector<384x640xf32>
    %get3A_438 = arith.constant 1 : index
    %get3A_439 = arith.constant 0 : index
    %get3A_440 = vector.load %arg11[%get3A_438, %get3A_439] : memref<3x640xf32, #tpu.memory_space<vmem>>, vector<1x640xf32>
    %get3A_441 = vector.shape_cast %get3A_440 : vector<1x640xf32> to vector<640xf32>
    %broadcast_in_dim3A_442 = vector.shape_cast %get3A_441 : vector<640xf32> to vector<1x640xf32>
    %add3A_443 = vector.broadcast %broadcast_in_dim3A_442 : vector<1x640xf32> to vector<384x640xf32>
    %add3A_444 = arith.addf %dot_general3A_437, %add3A_443 : vector<384x640xf32>
    %convert_element_type3A_445 = arith.truncf %add3A_444 : vector<384x640xf32> to vector<384x640xbf16>
    %convert_element_type3A_446 = arith.extf %convert_element_type3A_445 : vector<384x640xbf16> to vector<384x640xf32>
    %get3A_447 = arith.constant 1 : index
    %get3A_448 = arith.constant 0 : index
    %get3A_449 = arith.constant 0 : index
    %get3A_450 = vector.load %arg7[%get3A_447, %get3A_448, %get3A_449] : memref<3x640x640xf32, #tpu.memory_space<vmem>>, vector<1x640x640xf32>
    %get3A_451 = vector.shape_cast %get3A_450 : vector<1x640x640xf32> to vector<640x640xf32>
    %dot_general3A_452 = arith.constant dense<0.000000e+00> : vector<384x640xf32>
    %dot_general3A_453 = tpu.matmul %slice3A_324, %get3A_451, %dot_general3A_452 {dimension_numbers = #tpu.dot_dimension_numbers<[1], [0], [0], [1], [0, 0, 1, 1], [], []>, transpose_lhs_hint = false} : vector<384x640xf32>, vector<640x640xf32>, vector<384x640xf32> -> vector<384x640xf32>
    %get3A_454 = arith.constant 1 : index
    %get3A_455 = arith.constant 0 : index
    %get3A_456 = vector.load %arg11[%get3A_454, %get3A_455] : memref<3x640xf32, #tpu.memory_space<vmem>>, vector<1x640xf32>
    %get3A_457 = vector.shape_cast %get3A_456 : vector<1x640xf32> to vector<640xf32>
    %broadcast_in_dim3A_458 = vector.shape_cast %get3A_457 : vector<640xf32> to vector<1x640xf32>
    %add3A_459 = vector.broadcast %broadcast_in_dim3A_458 : vector<1x640xf32> to vector<384x640xf32>
    %add3A_460 = arith.addf %dot_general3A_453, %add3A_459 : vector<384x640xf32>
    %convert_element_type3A_461 = arith.truncf %add3A_460 : vector<384x640xf32> to vector<384x640xbf16>
    %convert_element_type3A_462 = arith.extf %convert_element_type3A_461 : vector<384x640xbf16> to vector<384x640xf32>
    %convert_element_type3A_463 = arith.truncf %add3A_338 : vector<384x640xf32> to vector<384x640xbf16>
    %convert_element_type3A_464 = arith.extf %convert_element_type3A_463 : vector<384x640xbf16> to vector<384x640xf32>
    %mul3A_465 = arith.mulf %convert_element_type3A_464, %convert_element_type3A_382 : vector<384x640xf32>
    %reduce_sum3A_466 = arith.constant dense<0.000000e+00> : vector<384xf32>
    %reduce_sum3A_467 = vector.multi_reduction <add>, %mul3A_465, %reduce_sum3A_466 [1] : vector<384x640xf32> to vector<384xf32>
    %broadcast_in_dim3A_468 = vector.shape_cast %reduce_sum3A_467 : vector<384xf32> to vector<384x1xf32>
    %mul3A_469 = arith.constant 0.111803398 : f32
    %mul3A_470 = vector.broadcast %mul3A_469 : f32 to vector<384x1xf32>
    %mul3A_471 = arith.mulf %broadcast_in_dim3A_468, %mul3A_470 : vector<384x1xf32>
    %mul3A_472 = arith.mulf %convert_element_type3A_464, %convert_element_type3A_398 : vector<384x640xf32>
    %reduce_sum3A_473 = arith.constant dense<0.000000e+00> : vector<384xf32>
    %reduce_sum3A_474 = vector.multi_reduction <add>, %mul3A_472, %reduce_sum3A_473 [1] : vector<384x640xf32> to vector<384xf32>
    %broadcast_in_dim3A_475 = vector.shape_cast %reduce_sum3A_474 : vector<384xf32> to vector<384x1xf32>
    %mul3A_476 = arith.constant 0.111803398 : f32
    %mul3A_477 = vector.broadcast %mul3A_476 : f32 to vector<384x1xf32>
    %mul3A_478 = arith.mulf %broadcast_in_dim3A_475, %mul3A_477 : vector<384x1xf32>
    %mul3A_479 = arith.mulf %convert_element_type3A_464, %convert_element_type3A_414 : vector<384x640xf32>
    %reduce_sum3A_480 = arith.constant dense<0.000000e+00> : vector<384xf32>
    %reduce_sum3A_481 = vector.multi_reduction <add>, %mul3A_479, %reduce_sum3A_480 [1] : vector<384x640xf32> to vector<384xf32>
    %broadcast_in_dim3A_482 = vector.shape_cast %reduce_sum3A_481 : vector<384xf32> to vector<384x1xf32>
    %mul3A_483 = arith.constant 0.111803398 : f32
    %mul3A_484 = vector.broadcast %mul3A_483 : f32 to vector<384x1xf32>
    %mul3A_485 = arith.mulf %broadcast_in_dim3A_482, %mul3A_484 : vector<384x1xf32>
    %max3A_486 = arith.maximumf %mul3A_471, %mul3A_478 : vector<384x1xf32>
    %max3A_487 = arith.maximumf %max3A_486, %mul3A_485 : vector<384x1xf32>
    %sub3A_488 = arith.subf %mul3A_471, %max3A_487 : vector<384x1xf32>
    %exp3A_489 = math.exp %sub3A_488 : vector<384x1xf32>
    %sub3A_490 = arith.subf %mul3A_478, %max3A_487 : vector<384x1xf32>
    %exp3A_491 = math.exp %sub3A_490 : vector<384x1xf32>
    %sub3A_492 = arith.subf %mul3A_485, %max3A_487 : vector<384x1xf32>
    %exp3A_493 = math.exp %sub3A_492 : vector<384x1xf32>
    %add3A_494 = arith.addf %exp3A_489, %exp3A_491 : vector<384x1xf32>
    %add3A_495 = arith.addf %add3A_494, %exp3A_493 : vector<384x1xf32>
    %div3A_496 = arith.divf %exp3A_489, %add3A_495 : vector<384x1xf32>
    %convert_element_type3A_497 = arith.truncf %div3A_496 : vector<384x1xf32> to vector<384x1xbf16>
    %convert_element_type3A_498 = arith.extf %convert_element_type3A_497 : vector<384x1xbf16> to vector<384x1xf32>
    %div3A_499 = arith.divf %exp3A_491, %add3A_495 : vector<384x1xf32>
    %convert_element_type3A_500 = arith.truncf %div3A_499 : vector<384x1xf32> to vector<384x1xbf16>
    %convert_element_type3A_501 = arith.extf %convert_element_type3A_500 : vector<384x1xbf16> to vector<384x1xf32>
    %div3A_502 = arith.divf %exp3A_493, %add3A_495 : vector<384x1xf32>
    %convert_element_type3A_503 = arith.truncf %div3A_502 : vector<384x1xf32> to vector<384x1xbf16>
    %convert_element_type3A_504 = arith.extf %convert_element_type3A_503 : vector<384x1xbf16> to vector<384x1xf32>
    %mul3A_505 = vector.broadcast %convert_element_type3A_498 : vector<384x1xf32> to vector<384x640xf32>
    %mul3A_506 = arith.mulf %mul3A_505, %convert_element_type3A_430 : vector<384x640xf32>
    %mul3A_507 = vector.broadcast %convert_element_type3A_501 : vector<384x1xf32> to vector<384x640xf32>
    %mul3A_508 = arith.mulf %mul3A_507, %convert_element_type3A_446 : vector<384x640xf32>
    %add3A_509 = arith.addf %mul3A_506, %mul3A_508 : vector<384x640xf32>
    %mul3A_510 = vector.broadcast %convert_element_type3A_504 : vector<384x1xf32> to vector<384x640xf32>
    %mul3A_511 = arith.mulf %mul3A_510, %convert_element_type3A_462 : vector<384x640xf32>
    %add3A_512 = arith.addf %add3A_509, %mul3A_511 : vector<384x640xf32>
    %convert_element_type3A_513 = arith.truncf %add3A_352 : vector<384x640xf32> to vector<384x640xbf16>
    %convert_element_type3A_514 = arith.extf %convert_element_type3A_513 : vector<384x640xbf16> to vector<384x640xf32>
    %mul3A_515 = arith.mulf %convert_element_type3A_514, %convert_element_type3A_382 : vector<384x640xf32>
    %reduce_sum3A_516 = arith.constant dense<0.000000e+00> : vector<384xf32>
    %reduce_sum3A_517 = vector.multi_reduction <add>, %mul3A_515, %reduce_sum3A_516 [1] : vector<384x640xf32> to vector<384xf32>
    %broadcast_in_dim3A_518 = vector.shape_cast %reduce_sum3A_517 : vector<384xf32> to vector<384x1xf32>
    %mul3A_519 = arith.constant 0.111803398 : f32
    %mul3A_520 = vector.broadcast %mul3A_519 : f32 to vector<384x1xf32>
    %mul3A_521 = arith.mulf %broadcast_in_dim3A_518, %mul3A_520 : vector<384x1xf32>
    %mul3A_522 = arith.mulf %convert_element_type3A_514, %convert_element_type3A_398 : vector<384x640xf32>
    %reduce_sum3A_523 = arith.constant dense<0.000000e+00> : vector<384xf32>
    %reduce_sum3A_524 = vector.multi_reduction <add>, %mul3A_522, %reduce_sum3A_523 [1] : vector<384x640xf32> to vector<384xf32>
    %broadcast_in_dim3A_525 = vector.shape_cast %reduce_sum3A_524 : vector<384xf32> to vector<384x1xf32>
    %mul3A_526 = arith.constant 0.111803398 : f32
    %mul3A_527 = vector.broadcast %mul3A_526 : f32 to vector<384x1xf32>
    %mul3A_528 = arith.mulf %broadcast_in_dim3A_525, %mul3A_527 : vector<384x1xf32>
    %mul3A_529 = arith.mulf %convert_element_type3A_514, %convert_element_type3A_414 : vector<384x640xf32>
    %reduce_sum3A_530 = arith.constant dense<0.000000e+00> : vector<384xf32>
    %reduce_sum3A_531 = vector.multi_reduction <add>, %mul3A_529, %reduce_sum3A_530 [1] : vector<384x640xf32> to vector<384xf32>
    %broadcast_in_dim3A_532 = vector.shape_cast %reduce_sum3A_531 : vector<384xf32> to vector<384x1xf32>
    %mul3A_533 = arith.constant 0.111803398 : f32
    %mul3A_534 = vector.broadcast %mul3A_533 : f32 to vector<384x1xf32>
    %mul3A_535 = arith.mulf %broadcast_in_dim3A_532, %mul3A_534 : vector<384x1xf32>
    %max3A_536 = arith.maximumf %mul3A_521, %mul3A_528 : vector<384x1xf32>
    %max3A_537 = arith.maximumf %max3A_536, %mul3A_535 : vector<384x1xf32>
    %sub3A_538 = arith.subf %mul3A_521, %max3A_537 : vector<384x1xf32>
    %exp3A_539 = math.exp %sub3A_538 : vector<384x1xf32>
    %sub3A_540 = arith.subf %mul3A_528, %max3A_537 : vector<384x1xf32>
    %exp3A_541 = math.exp %sub3A_540 : vector<384x1xf32>
    %sub3A_542 = arith.subf %mul3A_535, %max3A_537 : vector<384x1xf32>
    %exp3A_543 = math.exp %sub3A_542 : vector<384x1xf32>
    %add3A_544 = arith.addf %exp3A_539, %exp3A_541 : vector<384x1xf32>
    %add3A_545 = arith.addf %add3A_544, %exp3A_543 : vector<384x1xf32>
    %div3A_546 = arith.divf %exp3A_539, %add3A_545 : vector<384x1xf32>
    %convert_element_type3A_547 = arith.truncf %div3A_546 : vector<384x1xf32> to vector<384x1xbf16>
    %convert_element_type3A_548 = arith.extf %convert_element_type3A_547 : vector<384x1xbf16> to vector<384x1xf32>
    %div3A_549 = arith.divf %exp3A_541, %add3A_545 : vector<384x1xf32>
    %convert_element_type3A_550 = arith.truncf %div3A_549 : vector<384x1xf32> to vector<384x1xbf16>
    %convert_element_type3A_551 = arith.extf %convert_element_type3A_550 : vector<384x1xbf16> to vector<384x1xf32>
    %div3A_552 = arith.divf %exp3A_543, %add3A_545 : vector<384x1xf32>
    %convert_element_type3A_553 = arith.truncf %div3A_552 : vector<384x1xf32> to vector<384x1xbf16>
    %convert_element_type3A_554 = arith.extf %convert_element_type3A_553 : vector<384x1xbf16> to vector<384x1xf32>
    %mul3A_555 = vector.broadcast %convert_element_type3A_548 : vector<384x1xf32> to vector<384x640xf32>
    %mul3A_556 = arith.mulf %mul3A_555, %convert_element_type3A_430 : vector<384x640xf32>
    %mul3A_557 = vector.broadcast %convert_element_type3A_551 : vector<384x1xf32> to vector<384x640xf32>
    %mul3A_558 = arith.mulf %mul3A_557, %convert_element_type3A_446 : vector<384x640xf32>
    %add3A_559 = arith.addf %mul3A_556, %mul3A_558 : vector<384x640xf32>
    %mul3A_560 = vector.broadcast %convert_element_type3A_554 : vector<384x1xf32> to vector<384x640xf32>
    %mul3A_561 = arith.mulf %mul3A_560, %convert_element_type3A_462 : vector<384x640xf32>
    %add3A_562 = arith.addf %add3A_559, %mul3A_561 : vector<384x640xf32>
    %convert_element_type3A_563 = arith.truncf %add3A_366 : vector<384x640xf32> to vector<384x640xbf16>
    %convert_element_type3A_564 = arith.extf %convert_element_type3A_563 : vector<384x640xbf16> to vector<384x640xf32>
    %mul3A_565 = arith.mulf %convert_element_type3A_564, %convert_element_type3A_382 : vector<384x640xf32>
    %reduce_sum3A_566 = arith.constant dense<0.000000e+00> : vector<384xf32>
    %reduce_sum3A_567 = vector.multi_reduction <add>, %mul3A_565, %reduce_sum3A_566 [1] : vector<384x640xf32> to vector<384xf32>
    %broadcast_in_dim3A_568 = vector.shape_cast %reduce_sum3A_567 : vector<384xf32> to vector<384x1xf32>
    %mul3A_569 = arith.constant 0.111803398 : f32
    %mul3A_570 = vector.broadcast %mul3A_569 : f32 to vector<384x1xf32>
    %mul3A_571 = arith.mulf %broadcast_in_dim3A_568, %mul3A_570 : vector<384x1xf32>
    %mul3A_572 = arith.mulf %convert_element_type3A_564, %convert_element_type3A_398 : vector<384x640xf32>
    %reduce_sum3A_573 = arith.constant dense<0.000000e+00> : vector<384xf32>
    %reduce_sum3A_574 = vector.multi_reduction <add>, %mul3A_572, %reduce_sum3A_573 [1] : vector<384x640xf32> to vector<384xf32>
    %broadcast_in_dim3A_575 = vector.shape_cast %reduce_sum3A_574 : vector<384xf32> to vector<384x1xf32>
    %mul3A_576 = arith.constant 0.111803398 : f32
    %mul3A_577 = vector.broadcast %mul3A_576 : f32 to vector<384x1xf32>
    %mul3A_578 = arith.mulf %broadcast_in_dim3A_575, %mul3A_577 : vector<384x1xf32>
    %mul3A_579 = arith.mulf %convert_element_type3A_564, %convert_element_type3A_414 : vector<384x640xf32>
    %reduce_sum3A_580 = arith.constant dense<0.000000e+00> : vector<384xf32>
    %reduce_sum3A_581 = vector.multi_reduction <add>, %mul3A_579, %reduce_sum3A_580 [1] : vector<384x640xf32> to vector<384xf32>
    %broadcast_in_dim3A_582 = vector.shape_cast %reduce_sum3A_581 : vector<384xf32> to vector<384x1xf32>
    %mul3A_583 = arith.constant 0.111803398 : f32
    %mul3A_584 = vector.broadcast %mul3A_583 : f32 to vector<384x1xf32>
    %mul3A_585 = arith.mulf %broadcast_in_dim3A_582, %mul3A_584 : vector<384x1xf32>
    %max3A_586 = arith.maximumf %mul3A_571, %mul3A_578 : vector<384x1xf32>
    %max3A_587 = arith.maximumf %max3A_586, %mul3A_585 : vector<384x1xf32>
    %sub3A_588 = arith.subf %mul3A_571, %max3A_587 : vector<384x1xf32>
    %exp3A_589 = math.exp %sub3A_588 : vector<384x1xf32>
    %sub3A_590 = arith.subf %mul3A_578, %max3A_587 : vector<384x1xf32>
    %exp3A_591 = math.exp %sub3A_590 : vector<384x1xf32>
    %sub3A_592 = arith.subf %mul3A_585, %max3A_587 : vector<384x1xf32>
    %exp3A_593 = math.exp %sub3A_592 : vector<384x1xf32>
    %add3A_594 = arith.addf %exp3A_589, %exp3A_591 : vector<384x1xf32>
    %add3A_595 = arith.addf %add3A_594, %exp3A_593 : vector<384x1xf32>
    %div3A_596 = arith.divf %exp3A_589, %add3A_595 : vector<384x1xf32>
    %convert_element_type3A_597 = arith.truncf %div3A_596 : vector<384x1xf32> to vector<384x1xbf16>
    %convert_element_type3A_598 = arith.extf %convert_element_type3A_597 : vector<384x1xbf16> to vector<384x1xf32>
    %div3A_599 = arith.divf %exp3A_591, %add3A_595 : vector<384x1xf32>
    %convert_element_type3A_600 = arith.truncf %div3A_599 : vector<384x1xf32> to vector<384x1xbf16>
    %convert_element_type3A_601 = arith.extf %convert_element_type3A_600 : vector<384x1xbf16> to vector<384x1xf32>
    %div3A_602 = arith.divf %exp3A_593, %add3A_595 : vector<384x1xf32>
    %convert_element_type3A_603 = arith.truncf %div3A_602 : vector<384x1xf32> to vector<384x1xbf16>
    %convert_element_type3A_604 = arith.extf %convert_element_type3A_603 : vector<384x1xbf16> to vector<384x1xf32>
    %mul3A_605 = vector.broadcast %convert_element_type3A_598 : vector<384x1xf32> to vector<384x640xf32>
    %mul3A_606 = arith.mulf %mul3A_605, %convert_element_type3A_430 : vector<384x640xf32>
    %mul3A_607 = vector.broadcast %convert_element_type3A_601 : vector<384x1xf32> to vector<384x640xf32>
    %mul3A_608 = arith.mulf %mul3A_607, %convert_element_type3A_446 : vector<384x640xf32>
    %add3A_609 = arith.addf %mul3A_606, %mul3A_608 : vector<384x640xf32>
    %mul3A_610 = vector.broadcast %convert_element_type3A_604 : vector<384x1xf32> to vector<384x640xf32>
    %mul3A_611 = arith.mulf %mul3A_610, %convert_element_type3A_462 : vector<384x640xf32>
    %add3A_612 = arith.addf %add3A_609, %mul3A_611 : vector<384x640xf32>
    %concatenate3A_613 = tpu.concatenate %add3A_512, %add3A_562, %add3A_612 in 0 : vector<384x640xf32>, vector<384x640xf32>, vector<384x640xf32> -> vector<1152x640xf32>
    %get3A_614 = arith.constant 1 : index
    %get3A_615 = arith.constant 0 : index
    %get3A_616 = arith.constant 0 : index
    %get3A_617 = vector.load %arg8[%get3A_614, %get3A_615, %get3A_616] : memref<3x640x640xf32, #tpu.memory_space<vmem>>, vector<1x640x640xf32>
    %get3A_618 = vector.shape_cast %get3A_617 : vector<1x640x640xf32> to vector<640x640xf32>
    %dot_general3A_619 = arith.constant dense<0.000000e+00> : vector<1152x640xf32>
    %dot_general3A_620 = tpu.matmul %concatenate3A_613, %get3A_618, %dot_general3A_619 {dimension_numbers = #tpu.dot_dimension_numbers<[1], [0], [0], [1], [0, 0, 1, 1], [], []>, transpose_lhs_hint = false} : vector<1152x640xf32>, vector<640x640xf32>, vector<1152x640xf32> -> vector<1152x640xf32>
    %add3A_621 = vector.broadcast %broadcast_in_dim3A_321 : vector<1x640xf32> to vector<1152x640xf32>
    %add3A_622 = arith.addf %dot_general3A_620, %add3A_621 : vector<1152x640xf32>
    %get3A_623 = arith.constant 2 : index
    %get3A_624 = arith.constant 0 : index
    %get3A_625 = vector.load %arg12[%get3A_623, %get3A_624] : memref<3x640xf32, #tpu.memory_space<vmem>>, vector<1x640xf32>
    %get3A_626 = vector.shape_cast %get3A_625 : vector<1x640xf32> to vector<640xf32>
    %broadcast_in_dim3A_627 = vector.shape_cast %get3A_626 : vector<640xf32> to vector<1x640xf32>
    %slice3A_628 = vector.extract_strided_slice %add3A_622 {offsets = [0, 0], sizes = [384, 640], strides = [1, 1]} : vector<1152x640xf32> to vector<384x640xf32>
    %slice3A_629 = vector.extract_strided_slice %add3A_622 {offsets = [384, 0], sizes = [384, 640], strides = [1, 1]} : vector<1152x640xf32> to vector<384x640xf32>
    %slice3A_630 = vector.extract_strided_slice %add3A_622 {offsets = [768, 0], sizes = [384, 640], strides = [1, 1]} : vector<1152x640xf32> to vector<384x640xf32>
    %get3A_631 = arith.constant 2 : index
    %get3A_632 = arith.constant 0 : index
    %get3A_633 = arith.constant 0 : index
    %get3A_634 = vector.load %arg5[%get3A_631, %get3A_632, %get3A_633] : memref<3x640x640xf32, #tpu.memory_space<vmem>>, vector<1x640x640xf32>
    %get3A_635 = vector.shape_cast %get3A_634 : vector<1x640x640xf32> to vector<640x640xf32>
    %dot_general3A_636 = arith.constant dense<0.000000e+00> : vector<384x640xf32>
    %dot_general3A_637 = tpu.matmul %slice3A_628, %get3A_635, %dot_general3A_636 {dimension_numbers = #tpu.dot_dimension_numbers<[1], [0], [0], [1], [0, 0, 1, 1], [], []>, transpose_lhs_hint = false} : vector<384x640xf32>, vector<640x640xf32>, vector<384x640xf32> -> vector<384x640xf32>
    %get3A_638 = arith.constant 2 : index
    %get3A_639 = arith.constant 0 : index
    %get3A_640 = vector.load %arg9[%get3A_638, %get3A_639] : memref<3x640xf32, #tpu.memory_space<vmem>>, vector<1x640xf32>
    %get3A_641 = vector.shape_cast %get3A_640 : vector<1x640xf32> to vector<640xf32>
    %broadcast_in_dim3A_642 = vector.shape_cast %get3A_641 : vector<640xf32> to vector<1x640xf32>
    %add3A_643 = vector.broadcast %broadcast_in_dim3A_642 : vector<1x640xf32> to vector<384x640xf32>
    %add3A_644 = arith.addf %dot_general3A_637, %add3A_643 : vector<384x640xf32>
    %get3A_645 = arith.constant 2 : index
    %get3A_646 = arith.constant 0 : index
    %get3A_647 = arith.constant 0 : index
    %get3A_648 = vector.load %arg6[%get3A_645, %get3A_646, %get3A_647] : memref<3x640x640xf32, #tpu.memory_space<vmem>>, vector<1x640x640xf32>
    %get3A_649 = vector.shape_cast %get3A_648 : vector<1x640x640xf32> to vector<640x640xf32>
    %dot_general3A_650 = arith.constant dense<0.000000e+00> : vector<384x640xf32>
    %dot_general3A_651 = tpu.matmul %slice3A_628, %get3A_649, %dot_general3A_650 {dimension_numbers = #tpu.dot_dimension_numbers<[1], [0], [0], [1], [0, 0, 1, 1], [], []>, transpose_lhs_hint = false} : vector<384x640xf32>, vector<640x640xf32>, vector<384x640xf32> -> vector<384x640xf32>
    %get3A_652 = arith.constant 2 : index
    %get3A_653 = arith.constant 0 : index
    %get3A_654 = vector.load %arg10[%get3A_652, %get3A_653] : memref<3x640xf32, #tpu.memory_space<vmem>>, vector<1x640xf32>
    %get3A_655 = vector.shape_cast %get3A_654 : vector<1x640xf32> to vector<640xf32>
    %broadcast_in_dim3A_656 = vector.shape_cast %get3A_655 : vector<640xf32> to vector<1x640xf32>
    %add3A_657 = vector.broadcast %broadcast_in_dim3A_656 : vector<1x640xf32> to vector<384x640xf32>
    %add3A_658 = arith.addf %dot_general3A_651, %add3A_657 : vector<384x640xf32>
    %convert_element_type3A_659 = arith.truncf %add3A_658 : vector<384x640xf32> to vector<384x640xbf16>
    %convert_element_type3A_660 = arith.extf %convert_element_type3A_659 : vector<384x640xbf16> to vector<384x640xf32>
    %get3A_661 = arith.constant 2 : index
    %get3A_662 = arith.constant 0 : index
    %get3A_663 = arith.constant 0 : index
    %get3A_664 = vector.load %arg6[%get3A_661, %get3A_662, %get3A_663] : memref<3x640x640xf32, #tpu.memory_space<vmem>>, vector<1x640x640xf32>
    %get3A_665 = vector.shape_cast %get3A_664 : vector<1x640x640xf32> to vector<640x640xf32>
    %dot_general3A_666 = arith.constant dense<0.000000e+00> : vector<384x640xf32>
    %dot_general3A_667 = tpu.matmul %slice3A_629, %get3A_665, %dot_general3A_666 {dimension_numbers = #tpu.dot_dimension_numbers<[1], [0], [0], [1], [0, 0, 1, 1], [], []>, transpose_lhs_hint = false} : vector<384x640xf32>, vector<640x640xf32>, vector<384x640xf32> -> vector<384x640xf32>
    %get3A_668 = arith.constant 2 : index
    %get3A_669 = arith.constant 0 : index
    %get3A_670 = vector.load %arg10[%get3A_668, %get3A_669] : memref<3x640xf32, #tpu.memory_space<vmem>>, vector<1x640xf32>
    %get3A_671 = vector.shape_cast %get3A_670 : vector<1x640xf32> to vector<640xf32>
    %broadcast_in_dim3A_672 = vector.shape_cast %get3A_671 : vector<640xf32> to vector<1x640xf32>
    %add3A_673 = vector.broadcast %broadcast_in_dim3A_672 : vector<1x640xf32> to vector<384x640xf32>
    %add3A_674 = arith.addf %dot_general3A_667, %add3A_673 : vector<384x640xf32>
    %convert_element_type3A_675 = arith.truncf %add3A_674 : vector<384x640xf32> to vector<384x640xbf16>
    %convert_element_type3A_676 = arith.extf %convert_element_type3A_675 : vector<384x640xbf16> to vector<384x640xf32>
    %get3A_677 = arith.constant 2 : index
    %get3A_678 = arith.constant 0 : index
    %get3A_679 = arith.constant 0 : index
    %get3A_680 = vector.load %arg6[%get3A_677, %get3A_678, %get3A_679] : memref<3x640x640xf32, #tpu.memory_space<vmem>>, vector<1x640x640xf32>
    %get3A_681 = vector.shape_cast %get3A_680 : vector<1x640x640xf32> to vector<640x640xf32>
    %dot_general3A_682 = arith.constant dense<0.000000e+00> : vector<384x640xf32>
    %dot_general3A_683 = tpu.matmul %slice3A_630, %get3A_681, %dot_general3A_682 {dimension_numbers = #tpu.dot_dimension_numbers<[1], [0], [0], [1], [0, 0, 1, 1], [], []>, transpose_lhs_hint = false} : vector<384x640xf32>, vector<640x640xf32>, vector<384x640xf32> -> vector<384x640xf32>
    %get3A_684 = arith.constant 2 : index
    %get3A_685 = arith.constant 0 : index
    %get3A_686 = vector.load %arg10[%get3A_684, %get3A_685] : memref<3x640xf32, #tpu.memory_space<vmem>>, vector<1x640xf32>
    %get3A_687 = vector.shape_cast %get3A_686 : vector<1x640xf32> to vector<640xf32>
    %broadcast_in_dim3A_688 = vector.shape_cast %get3A_687 : vector<640xf32> to vector<1x640xf32>
    %add3A_689 = vector.broadcast %broadcast_in_dim3A_688 : vector<1x640xf32> to vector<384x640xf32>
    %add3A_690 = arith.addf %dot_general3A_683, %add3A_689 : vector<384x640xf32>
    %convert_element_type3A_691 = arith.truncf %add3A_690 : vector<384x640xf32> to vector<384x640xbf16>
    %convert_element_type3A_692 = arith.extf %convert_element_type3A_691 : vector<384x640xbf16> to vector<384x640xf32>
    %get3A_693 = arith.constant 2 : index
    %get3A_694 = arith.constant 0 : index
    %get3A_695 = arith.constant 0 : index
    %get3A_696 = vector.load %arg7[%get3A_693, %get3A_694, %get3A_695] : memref<3x640x640xf32, #tpu.memory_space<vmem>>, vector<1x640x640xf32>
    %get3A_697 = vector.shape_cast %get3A_696 : vector<1x640x640xf32> to vector<640x640xf32>
    %dot_general3A_698 = arith.constant dense<0.000000e+00> : vector<384x640xf32>
    %dot_general3A_699 = tpu.matmul %slice3A_628, %get3A_697, %dot_general3A_698 {dimension_numbers = #tpu.dot_dimension_numbers<[1], [0], [0], [1], [0, 0, 1, 1], [], []>, transpose_lhs_hint = false} : vector<384x640xf32>, vector<640x640xf32>, vector<384x640xf32> -> vector<384x640xf32>
    %get3A_700 = arith.constant 2 : index
    %get3A_701 = arith.constant 0 : index
    %get3A_702 = vector.load %arg11[%get3A_700, %get3A_701] : memref<3x640xf32, #tpu.memory_space<vmem>>, vector<1x640xf32>
    %get3A_703 = vector.shape_cast %get3A_702 : vector<1x640xf32> to vector<640xf32>
    %broadcast_in_dim3A_704 = vector.shape_cast %get3A_703 : vector<640xf32> to vector<1x640xf32>
    %add3A_705 = vector.broadcast %broadcast_in_dim3A_704 : vector<1x640xf32> to vector<384x640xf32>
    %add3A_706 = arith.addf %dot_general3A_699, %add3A_705 : vector<384x640xf32>
    %convert_element_type3A_707 = arith.truncf %add3A_706 : vector<384x640xf32> to vector<384x640xbf16>
    %convert_element_type3A_708 = arith.extf %convert_element_type3A_707 : vector<384x640xbf16> to vector<384x640xf32>
    %get3A_709 = arith.constant 2 : index
    %get3A_710 = arith.constant 0 : index
    %get3A_711 = arith.constant 0 : index
    %get3A_712 = vector.load %arg7[%get3A_709, %get3A_710, %get3A_711] : memref<3x640x640xf32, #tpu.memory_space<vmem>>, vector<1x640x640xf32>
    %get3A_713 = vector.shape_cast %get3A_712 : vector<1x640x640xf32> to vector<640x640xf32>
    %dot_general3A_714 = arith.constant dense<0.000000e+00> : vector<384x640xf32>
    %dot_general3A_715 = tpu.matmul %slice3A_629, %get3A_713, %dot_general3A_714 {dimension_numbers = #tpu.dot_dimension_numbers<[1], [0], [0], [1], [0, 0, 1, 1], [], []>, transpose_lhs_hint = false} : vector<384x640xf32>, vector<640x640xf32>, vector<384x640xf32> -> vector<384x640xf32>
    %get3A_716 = arith.constant 2 : index
    %get3A_717 = arith.constant 0 : index
    %get3A_718 = vector.load %arg11[%get3A_716, %get3A_717] : memref<3x640xf32, #tpu.memory_space<vmem>>, vector<1x640xf32>
    %get3A_719 = vector.shape_cast %get3A_718 : vector<1x640xf32> to vector<640xf32>
    %broadcast_in_dim3A_720 = vector.shape_cast %get3A_719 : vector<640xf32> to vector<1x640xf32>
    %add3A_721 = vector.broadcast %broadcast_in_dim3A_720 : vector<1x640xf32> to vector<384x640xf32>
    %add3A_722 = arith.addf %dot_general3A_715, %add3A_721 : vector<384x640xf32>
    %convert_element_type3A_723 = arith.truncf %add3A_722 : vector<384x640xf32> to vector<384x640xbf16>
    %convert_element_type3A_724 = arith.extf %convert_element_type3A_723 : vector<384x640xbf16> to vector<384x640xf32>
    %get3A_725 = arith.constant 2 : index
    %get3A_726 = arith.constant 0 : index
    %get3A_727 = arith.constant 0 : index
    %get3A_728 = vector.load %arg7[%get3A_725, %get3A_726, %get3A_727] : memref<3x640x640xf32, #tpu.memory_space<vmem>>, vector<1x640x640xf32>
    %get3A_729 = vector.shape_cast %get3A_728 : vector<1x640x640xf32> to vector<640x640xf32>
    %dot_general3A_730 = arith.constant dense<0.000000e+00> : vector<384x640xf32>
    %dot_general3A_731 = tpu.matmul %slice3A_630, %get3A_729, %dot_general3A_730 {dimension_numbers = #tpu.dot_dimension_numbers<[1], [0], [0], [1], [0, 0, 1, 1], [], []>, transpose_lhs_hint = false} : vector<384x640xf32>, vector<640x640xf32>, vector<384x640xf32> -> vector<384x640xf32>
    %get3A_732 = arith.constant 2 : index
    %get3A_733 = arith.constant 0 : index
    %get3A_734 = vector.load %arg11[%get3A_732, %get3A_733] : memref<3x640xf32, #tpu.memory_space<vmem>>, vector<1x640xf32>
    %get3A_735 = vector.shape_cast %get3A_734 : vector<1x640xf32> to vector<640xf32>
    %broadcast_in_dim3A_736 = vector.shape_cast %get3A_735 : vector<640xf32> to vector<1x640xf32>
    %add3A_737 = vector.broadcast %broadcast_in_dim3A_736 : vector<1x640xf32> to vector<384x640xf32>
    %add3A_738 = arith.addf %dot_general3A_731, %add3A_737 : vector<384x640xf32>
    %convert_element_type3A_739 = arith.truncf %add3A_738 : vector<384x640xf32> to vector<384x640xbf16>
    %convert_element_type3A_740 = arith.extf %convert_element_type3A_739 : vector<384x640xbf16> to vector<384x640xf32>
    %convert_element_type3A_741 = arith.truncf %add3A_644 : vector<384x640xf32> to vector<384x640xbf16>
    %convert_element_type3A_742 = arith.extf %convert_element_type3A_741 : vector<384x640xbf16> to vector<384x640xf32>
    %mul3A_743 = arith.mulf %convert_element_type3A_742, %convert_element_type3A_660 : vector<384x640xf32>
    %reduce_sum3A_744 = arith.constant dense<0.000000e+00> : vector<384xf32>
    %reduce_sum3A_745 = vector.multi_reduction <add>, %mul3A_743, %reduce_sum3A_744 [1] : vector<384x640xf32> to vector<384xf32>
    %broadcast_in_dim3A_746 = vector.shape_cast %reduce_sum3A_745 : vector<384xf32> to vector<384x1xf32>
    %mul3A_747 = arith.constant 0.111803398 : f32
    %mul3A_748 = vector.broadcast %mul3A_747 : f32 to vector<384x1xf32>
    %mul3A_749 = arith.mulf %broadcast_in_dim3A_746, %mul3A_748 : vector<384x1xf32>
    %mul3A_750 = arith.mulf %convert_element_type3A_742, %convert_element_type3A_676 : vector<384x640xf32>
    %reduce_sum3A_751 = arith.constant dense<0.000000e+00> : vector<384xf32>
    %reduce_sum3A_752 = vector.multi_reduction <add>, %mul3A_750, %reduce_sum3A_751 [1] : vector<384x640xf32> to vector<384xf32>
    %broadcast_in_dim3A_753 = vector.shape_cast %reduce_sum3A_752 : vector<384xf32> to vector<384x1xf32>
    %mul3A_754 = arith.constant 0.111803398 : f32
    %mul3A_755 = vector.broadcast %mul3A_754 : f32 to vector<384x1xf32>
    %mul3A_756 = arith.mulf %broadcast_in_dim3A_753, %mul3A_755 : vector<384x1xf32>
    %mul3A_757 = arith.mulf %convert_element_type3A_742, %convert_element_type3A_692 : vector<384x640xf32>
    %reduce_sum3A_758 = arith.constant dense<0.000000e+00> : vector<384xf32>
    %reduce_sum3A_759 = vector.multi_reduction <add>, %mul3A_757, %reduce_sum3A_758 [1] : vector<384x640xf32> to vector<384xf32>
    %broadcast_in_dim3A_760 = vector.shape_cast %reduce_sum3A_759 : vector<384xf32> to vector<384x1xf32>
    %mul3A_761 = arith.constant 0.111803398 : f32
    %mul3A_762 = vector.broadcast %mul3A_761 : f32 to vector<384x1xf32>
    %mul3A_763 = arith.mulf %broadcast_in_dim3A_760, %mul3A_762 : vector<384x1xf32>
    %max3A_764 = arith.maximumf %mul3A_749, %mul3A_756 : vector<384x1xf32>
    %max3A_765 = arith.maximumf %max3A_764, %mul3A_763 : vector<384x1xf32>
    %sub3A_766 = arith.subf %mul3A_749, %max3A_765 : vector<384x1xf32>
    %exp3A_767 = math.exp %sub3A_766 : vector<384x1xf32>
    %sub3A_768 = arith.subf %mul3A_756, %max3A_765 : vector<384x1xf32>
    %exp3A_769 = math.exp %sub3A_768 : vector<384x1xf32>
    %sub3A_770 = arith.subf %mul3A_763, %max3A_765 : vector<384x1xf32>
    %exp3A_771 = math.exp %sub3A_770 : vector<384x1xf32>
    %add3A_772 = arith.addf %exp3A_767, %exp3A_769 : vector<384x1xf32>
    %add3A_773 = arith.addf %add3A_772, %exp3A_771 : vector<384x1xf32>
    %div3A_774 = arith.divf %exp3A_767, %add3A_773 : vector<384x1xf32>
    %convert_element_type3A_775 = arith.truncf %div3A_774 : vector<384x1xf32> to vector<384x1xbf16>
    %convert_element_type3A_776 = arith.extf %convert_element_type3A_775 : vector<384x1xbf16> to vector<384x1xf32>
    %div3A_777 = arith.divf %exp3A_769, %add3A_773 : vector<384x1xf32>
    %convert_element_type3A_778 = arith.truncf %div3A_777 : vector<384x1xf32> to vector<384x1xbf16>
    %convert_element_type3A_779 = arith.extf %convert_element_type3A_778 : vector<384x1xbf16> to vector<384x1xf32>
    %div3A_780 = arith.divf %exp3A_771, %add3A_773 : vector<384x1xf32>
    %convert_element_type3A_781 = arith.truncf %div3A_780 : vector<384x1xf32> to vector<384x1xbf16>
    %convert_element_type3A_782 = arith.extf %convert_element_type3A_781 : vector<384x1xbf16> to vector<384x1xf32>
    %mul3A_783 = vector.broadcast %convert_element_type3A_776 : vector<384x1xf32> to vector<384x640xf32>
    %mul3A_784 = arith.mulf %mul3A_783, %convert_element_type3A_708 : vector<384x640xf32>
    %mul3A_785 = vector.broadcast %convert_element_type3A_779 : vector<384x1xf32> to vector<384x640xf32>
    %mul3A_786 = arith.mulf %mul3A_785, %convert_element_type3A_724 : vector<384x640xf32>
    %add3A_787 = arith.addf %mul3A_784, %mul3A_786 : vector<384x640xf32>
    %mul3A_788 = vector.broadcast %convert_element_type3A_782 : vector<384x1xf32> to vector<384x640xf32>
    %mul3A_789 = arith.mulf %mul3A_788, %convert_element_type3A_740 : vector<384x640xf32>
    %add3A_790 = arith.addf %add3A_787, %mul3A_789 : vector<384x640xf32>
    %get3A_791 = arith.constant 2 : index
    %get3A_792 = arith.constant 0 : index
    %get3A_793 = arith.constant 0 : index
    %get3A_794 = vector.load %arg8[%get3A_791, %get3A_792, %get3A_793] : memref<3x640x640xf32, #tpu.memory_space<vmem>>, vector<1x640x640xf32>
    %get3A_795 = vector.shape_cast %get3A_794 : vector<1x640x640xf32> to vector<640x640xf32>
    %dot_general3A_796 = arith.constant dense<0.000000e+00> : vector<384x640xf32>
    %dot_general3A_797 = tpu.matmul %add3A_790, %get3A_795, %dot_general3A_796 {dimension_numbers = #tpu.dot_dimension_numbers<[1], [0], [0], [1], [0, 0, 1, 1], [], []>, transpose_lhs_hint = false} : vector<384x640xf32>, vector<640x640xf32>, vector<384x640xf32> -> vector<384x640xf32>
    %add3A_798 = vector.broadcast %broadcast_in_dim3A_627 : vector<1x640xf32> to vector<384x640xf32>
    %add3A_799 = arith.addf %dot_general3A_797, %add3A_798 : vector<384x640xf32>
    %get3A_800 = arith.constant 0 : index
    %get3A_801 = arith.constant 0 : index
    %get3A_802 = vector.load %arg13[%get3A_800, %get3A_801] : memref<640x640xf32, #tpu.memory_space<vmem>>, vector<640x640xf32>
    %dot_general3A_803 = arith.constant dense<0.000000e+00> : vector<384x640xf32>
    %dot_general3A_804 = tpu.matmul %add3A_799, %get3A_802, %dot_general3A_803 {dimension_numbers = #tpu.dot_dimension_numbers<[1], [0], [0], [1], [0, 0, 1, 1], [], []>, transpose_lhs_hint = false} : vector<384x640xf32>, vector<640x640xf32>, vector<384x640xf32> -> vector<384x640xf32>
    %get3A_805 = arith.constant 0 : index
    %get3A_806 = vector.load %arg14[%get3A_805] : memref<640xf32, #tpu.memory_space<vmem>>, vector<640xf32>
    %broadcast_in_dim3A_807 = vector.shape_cast %get3A_806 : vector<640xf32> to vector<1x640xf32>
    %add3A_808 = vector.broadcast %broadcast_in_dim3A_807 : vector<1x640xf32> to vector<384x640xf32>
    %add3A_809 = arith.addf %dot_general3A_804, %add3A_808 : vector<384x640xf32>
    %tanh3A = math.tanh %add3A_809 : vector<384x640xf32>
    %get3A_810 = arith.constant 0 : index
    %get3A_811 = arith.constant 0 : index
    %get3A_812 = vector.load %arg15[%get3A_810, %get3A_811] : memref<640x12xf32, #tpu.memory_space<vmem>>, vector<640x12xf32>
    %dot_general3A_813 = arith.constant dense<0.000000e+00> : vector<384x12xf32>
    %dot_general3A_814 = tpu.matmul %tanh3A, %get3A_812, %dot_general3A_813 {dimension_numbers = #tpu.dot_dimension_numbers<[1], [0], [0], [1], [0, 0, 1, 1], [], []>, transpose_lhs_hint = false} : vector<384x640xf32>, vector<640x12xf32>, vector<384x12xf32> -> vector<384x12xf32>
    %get3A_815 = arith.constant 0 : index
    %get3A_816 = vector.load %arg16[%get3A_815] : memref<12xf32, #tpu.memory_space<vmem>>, vector<12xf32>
    %broadcast_in_dim3A_817 = vector.shape_cast %get3A_816 : vector<12xf32> to vector<1x12xf32>
    %add3A_818 = vector.broadcast %broadcast_in_dim3A_817 : vector<1x12xf32> to vector<384x12xf32>
    %add3A_819 = arith.addf %dot_general3A_814, %add3A_818 : vector<384x12xf32>
    %reshape3A_820 = vector.shape_cast %add3A_819 : vector<384x12xf32> to vector<3x128x12xf32>
    %reduce_sum3A_821 = arith.constant dense<0.000000e+00> : vector<128x12xf32>
    %reduce_sum3A_822 = vector.multi_reduction <add>, %reshape3A_820, %reduce_sum3A_821 [0] : vector<3x128x12xf32> to vector<128x12xf32>
    %div3A_823 = arith.constant 3.000000e+00 : f32
    %div3A_824 = vector.broadcast %div3A_823 : f32 to vector<128x12xf32>
    %div3A_825 = arith.divf %reduce_sum3A_822, %div3A_824 : vector<128x12xf32>
    %iota3A_826 = tpu.iota {dimensions = array<i32: 2>} : vector<3x128x12xi32>
    %eq3A_827 = vector.broadcast %get3A_9 : vector<3x128x1xi32> to vector<3x128x12xi32>
    %eq3A_828 = arith.cmpi eq, %eq3A_827, %iota3A_826 : vector<3x128x12xi32>
    %jit3A_829 = arith.constant 1.000000e+00 : f32
    %jit3A_830 = arith.constant 0.000000e+00 : f32
    %broadcast_in_dim3A_831 = vector.broadcast %jit3A_829 : f32 to vector<3x128x12xf32>
    %broadcast_in_dim3A_832 = vector.broadcast %jit3A_830 : f32 to vector<3x128x12xf32>
    %select_n3A_833 = arith.select %eq3A_828, %broadcast_in_dim3A_831, %broadcast_in_dim3A_832 : vector<3x128x12xi1>, vector<3x128x12xf32>
    %reduce_sum3A_834 = arith.constant dense<0.000000e+00> : vector<128x12xf32>
    %reduce_sum3A_835 = vector.multi_reduction <add>, %select_n3A_833, %reduce_sum3A_834 [0] : vector<3x128x12xf32> to vector<128x12xf32>
    %reduce_sum3A_836 = arith.constant dense<0.000000e+00> : vector<128xf32>
    %reduce_sum3A_837 = vector.multi_reduction <add>, %reduce_sum3A_835, %reduce_sum3A_836 [1] : vector<128x12xf32> to vector<128xf32>
    %broadcast_in_dim3A_838 = vector.shape_cast %reduce_sum3A_837 : vector<128xf32> to vector<128x1xf32>
    %div3A_839 = vector.broadcast %broadcast_in_dim3A_838 : vector<128x1xf32> to vector<128x12xf32>
    %div3A_840 = arith.divf %reduce_sum3A_835, %div3A_839 : vector<128x12xf32>
    %mul3A_841 = arith.constant 8.000000e-01 : f32
    %mul3A_842 = vector.broadcast %mul3A_841 : f32 to vector<128x12xf32>
    %mul3A_843 = arith.mulf %div3A_825, %mul3A_842 : vector<128x12xf32>
    %mul3A_844 = arith.constant 2.000000e-01 : f32
    %mul3A_845 = vector.broadcast %mul3A_844 : f32 to vector<128x12xf32>
    %mul3A_846 = arith.mulf %div3A_840, %mul3A_845 : vector<128x12xf32>
    %add3A_847 = arith.addf %mul3A_843, %mul3A_846 : vector<128x12xf32>
    %swap3A = arith.constant 0 : index
    %swap3A_848 = arith.constant 0 : index
    %swap3A_849 = vector.load %arg17[%swap3A, %swap3A_848] : memref<128x12xf32, #tpu.memory_space<vmem>>, vector<128x12xf32>
    tpu.vector_store %arg17[%swap3A, %swap3A_848], %add3A_847 {strides = array<i32>} : memref<128x12xf32, #tpu.memory_space<vmem>>, vector<128x12xf32>,
    return
  }
  func.func @transform_0(%arg0: i32) -> (i32, i32, i32) {
    %c0_i32 = arith.constant 0 : i32
    %c0_i32_0 = arith.constant 0 : i32
    %c0_i32_1 = arith.constant 0 : i32
    return %c0_i32, %arg0, %c0_i32_0 : i32, i32, i32
  }
  func.func @transform_1(%arg0: i32) -> (i32, i32) {
    %c0_i32 = arith.constant 0 : i32
    %c0_i32_0 = arith.constant 0 : i32
    return %arg0, %c0_i32 : i32, i32
  }
  func.func @transform_2(%arg0: i32) -> (i32, i32, i32) {
    %c0_i32 = arith.constant 0 : i32
    %c0_i32_0 = arith.constant 0 : i32
    %c0_i32_1 = arith.constant 0 : i32
    return %c0_i32, %arg0, %c0_i32_0 : i32, i32, i32
  }
  func.func @transform_3(%arg0: i32) -> (i32, i32, i32) {
    %c0_i32 = arith.constant 0 : i32
    %c0_i32_0 = arith.constant 0 : i32
    %c0_i32_1 = arith.constant 0 : i32
    return %c0_i32, %arg0, %c0_i32_0 : i32, i32, i32
  }
  func.func @transform_4(%arg0: i32) -> (i32, i32, i32) {
    %c0_i32 = arith.constant 0 : i32
    %c0_i32_0 = arith.constant 0 : i32
    %c0_i32_1 = arith.constant 0 : i32
    %c0_i32_2 = arith.constant 0 : i32
    return %c0_i32, %c0_i32_0, %c0_i32_1 : i32, i32, i32
  }
  func.func @transform_5(%arg0: i32) -> (i32, i32, i32) {
    %c0_i32 = arith.constant 0 : i32
    %c0_i32_0 = arith.constant 0 : i32
    %c0_i32_1 = arith.constant 0 : i32
    %c0_i32_2 = arith.constant 0 : i32
    return %c0_i32, %c0_i32_0, %c0_i32_1 : i32, i32, i32
  }
  func.func @transform_6(%arg0: i32) -> (i32, i32, i32) {
    %c0_i32 = arith.constant 0 : i32
    %c0_i32_0 = arith.constant 0 : i32
    %c0_i32_1 = arith.constant 0 : i32
    %c0_i32_2 = arith.constant 0 : i32
    return %c0_i32, %c0_i32_0, %c0_i32_1 : i32, i32, i32
  }
  func.func @transform_7(%arg0: i32) -> (i32, i32, i32) {
    %c0_i32 = arith.constant 0 : i32
    %c0_i32_0 = arith.constant 0 : i32
    %c0_i32_1 = arith.constant 0 : i32
    %c0_i32_2 = arith.constant 0 : i32
    return %c0_i32, %c0_i32_0, %c0_i32_1 : i32, i32, i32
  }
  func.func @transform_8(%arg0: i32) -> (i32, i32) {
    %c0_i32 = arith.constant 0 : i32
    %c0_i32_0 = arith.constant 0 : i32
    %c0_i32_1 = arith.constant 0 : i32
    return %c0_i32, %c0_i32_0 : i32, i32
  }
  func.func @transform_9(%arg0: i32) -> (i32, i32) {
    %c0_i32 = arith.constant 0 : i32
    %c0_i32_0 = arith.constant 0 : i32
    %c0_i32_1 = arith.constant 0 : i32
    return %c0_i32, %c0_i32_0 : i32, i32
  }
  func.func @transform_10(%arg0: i32) -> (i32, i32) {
    %c0_i32 = arith.constant 0 : i32
    %c0_i32_0 = arith.constant 0 : i32
    %c0_i32_1 = arith.constant 0 : i32
    return %c0_i32, %c0_i32_0 : i32, i32
  }
  func.func @transform_11(%arg0: i32) -> (i32, i32) {
    %c0_i32 = arith.constant 0 : i32
    %c0_i32_0 = arith.constant 0 : i32
    %c0_i32_1 = arith.constant 0 : i32
    return %c0_i32, %c0_i32_0 : i32, i32
  }
  func.func @transform_12(%arg0: i32) -> (i32, i32) {
    %c0_i32 = arith.constant 0 : i32
    %c0_i32_0 = arith.constant 0 : i32
    %c0_i32_1 = arith.constant 0 : i32
    return %c0_i32, %c0_i32_0 : i32, i32
  }
  func.func @transform_13(%arg0: i32) -> i32 {
    %c0_i32 = arith.constant 0 : i32
    %c0_i32_0 = arith.constant 0 : i32
    return %c0_i32 : i32
  }
  func.func @transform_14(%arg0: i32) -> (i32, i32) {
    %c0_i32 = arith.constant 0 : i32
    %c0_i32_0 = arith.constant 0 : i32
    %c0_i32_1 = arith.constant 0 : i32
    return %c0_i32, %c0_i32_0 : i32, i32
  }
  func.func @transform_15(%arg0: i32) -> i32 {
    %c0_i32 = arith.constant 0 : i32
    %c0_i32_0 = arith.constant 0 : i32
    return %c0_i32 : i32
  }
  func.func @transform_16(%arg0: i32) -> (i32, i32) {
    %c0_i32 = arith.constant 0 : i32
    %c0_i32_0 = arith.constant 0 : i32
    return %arg0, %c0_i32 : i32, i32
  }
}

</mosaic_0001>

<sc_bundles>
// kernel: kernel.5.cloned.1.call-start
scs
__scs_entry_jumppad:
0x0: {  	(pc) =	sbr.rel $0x88, $3  }
0x1: {  	(tag) =	ssettag $0x0;
	lr =	simm.s32 $0x1  }
0x2: {  	[smem:$0x3F92] =	sst lr;
	_ =	strace $0xD0000000  }
0x3: {  	_ = 	snop  }
0x4: {  	_ = 	snop  }
0x5: {  	_ = 	snop  }
0x6: {  	_ = 	snop  }
0x7: {  	_ = 	snop  }
__scs_overlays_trampoline_lowered:
0x8: {  	[smem:$0x3FA1] =	sst s0  }
0x9: {  	[smem:$0x3FA2] =	sst s1  }
0xa: {  	[smem:$0x3FA3] =	sst s2  }
0xb: {  	[smem:$0x3FA4] =	sst s3  }
0xc: {  	[smem:$0x3FA5] =	sst s4  }
0xd: {  	[smem:$0x3FA6] =	sst s5  }
0xe: {  	[smem:$0x3FA7] =	sst s6  }
0xf: {  	[smem:$0x3FA8] =	sst s7  }
0x10: {  	[smem:$0x3FA9] =	sst s8  }
0x11: {  	[smem:$0x3FAA] =	sst s9;
	s0 =	simm.s32 @!p0 $0x0  }
0x12: {  	s1 =	sld [smem:$0x3F90];
	s0 =	simm.s32 @p0 $0x1  }
0x13: {  	[smem:$0x3FAB] =	sst s0;
	s0 =	simm.s32 @!p1 $0x0  }
0x14: {  	s2 =	sld [smem:$0x3F8F];
	s0 =	simm.s32 @p1 $0x1  }
0x15: {  	[smem:$0x3FAC] =	sst s0;
	s0 =	simm.s32 @!p2 $0x0  }
0x16: {  	s3 =	sld [smem:$0x3FDB];
	s0 =	simm.s32 @p2 $0x1  }
0x17: {  	s4 =	simm.s32 $0x1BF5;
	[smem:$0x3FAE] =	sst s0  }
0x18: {  	s0 =	sld [smem:$0x3F91];
	_ =	swait.ge [sflag:s4], $0x0  }
0x19: {  	s7 =	sld [smem:$0x3F92]  }
0x1a: {  	s8 =	sadd.s32 $0xFFFFE003, lr  }
0x1b: {  	s9 =	sadd.s32 $0xFFFFFEF7, lr;
	s5 =	simm.s32 $0xFFFFFFFF;
	p2 =	slt.u32 s8, $0xFFFFF086  }
0x1c: {  	p1 =	slt.u32 s9, $0xF7A;
	s5 =	simm.s32 @!p2 $0x0  }
0x1d: {  	s5 =	simm.s32 @p1 $0x1;
	p0 =	seq.s32 s7, s2  }
0x1e: {  	s7 =	smul.u32 @!p0 $0xF7A, s2;
	p2 =	seq.s32 @!p0 s5, $0x0  }
0x1f: {  	s9 =	smul.u32 $0xF7A, s1;
	s8 =	simm.s32 @!p0 $0x1BF5;
	p2 =	por !p2, p0  }
0x20: {  	[sflag:s8] =	ssyncset.s32 @!p0 $0xFFFFF086;
	s6 =	sadd.s32 @!p0 s3, s7;
	s7 =	simm.s32 @!p0 $0x108  }
0x21: {  	s3 =	sadd.s32 s3, s9;
	s6 =	sadd.s32 @!p0 $0x88, s6;
	s7 =	simm.s32 @p2 $0x1082  }
0x22: {  	[simem:s7], [sflag:s8] =	dma.local @!p0 [hbm:s6], $0xF7A  }
0x23: {  	s9 =	sor.u32 $0xD0000000, s2;
	s6 =	simm.s32 $0x108;
	_ =	swait.ge @!p0 [sflag:s8], $0x0  }
0x24: {  	s3 =	sadd.s32 $0x88, s3;
	s6 =	simm.s32 @!p1 $0x1082;
	[sflag:s4] =	ssyncset.s32 $0xFFFFF086  }
0x25: {  	[simem:s6], [sflag:s4] =	dma.local [hbm:s3], $0xF7A  }
0x26: {  	[smem:$0x3F92] =	sst s1;
	(tag) =	ssettag s2;
	_ =	strace s9  }
0x27: {  	s1 =	sld [smem:$0x3FA2]  }
0x28: {  	s2 =	sld [smem:$0x3FA3]  }
0x29: {  	s4 =	sld [smem:$0x3FA5]  }
0x2a: {  	p0 =	seq.s32 s5, $0x0;
	s5 =	sld [smem:$0x3FA6]  }
0x2b: {  	s6 =	sld [smem:$0x3FA7]  }
0x2c: {  	s7 =	sld [smem:$0x3FA8]  }
0x2d: {  	s3 =	simm.s32 $0x108;
	s8 =	sld [smem:$0x3FA9]  }
0x2e: {  	s3 =	simm.s32 @!p0 $0x1082;
	s9 =	sld [smem:$0x3FAA]  }
0x2f: {  	lr =	sadd.s32 s0, s3;
	s0 =	sld [smem:$0x3FA1]  }
0x30: {  	s3 =	sld [smem:$0x3FA4]  }
0x31: {  	[smem:$0x3FAD] =	sst s10  }
0x32: {  	s10 =	sld [smem:$0x3FAB];
	_ =	sdelay $0x3  }
0x33: {  	p0 =	seq.s32 s10, $0x1;
	s10 =	sld [smem:$0x3FAD];
	_ =	sdelay $0x3  }
0x34: {  	[smem:$0x3FAD] =	sst s10  }
0x35: {  	s10 =	sld [smem:$0x3FAC];
	_ =	sdelay $0x3  }
0x36: {  	p1 =	seq.s32 s10, $0x1;
	s10 =	sld [smem:$0x3FAD];
	_ =	sdelay $0x3  }
0x37: {  	[smem:$0x3FAD] =	sst s10  }
0x38: {  	s10 =	sld [smem:$0x3FAE]  }
0x39: {  	_ = 	snop;
	(pc) =	sbr.ind lr, $3  }
0x3a: {  	_ = 	snop  }
0x3b: {  	_ = 	snop  }
0x3c: {  	p2 =	seq.s32 s10, $0x1;
	s10 =	sld [smem:$0x3FAD]  }
0x3d: {  	_ =	shalt  }
0x3e: {  	_ =	shalt  }
0x3f: {  	_ =	shalt  }
0x40: {  	_ =	shalt  }
0x41: {  	_ =	shalt  }
0x42: {  	_ =	shalt  }
0x43: {  	_ =	shalt  }
0x44: {  	_ =	shalt  }
0x45: {  	_ =	shalt  }
0x46: {  	_ =	shalt  }
0x47: {  	_ =	shalt  }
0x48: {  	_ =	shalt  }
0x49: {  	_ =	shalt  }
0x4a: {  	_ =	shalt  }
0x4b: {  	_ =	shalt  }
0x4c: {  	_ =	shalt  }
0x4d: {  	_ =	shalt  }
0x4e: {  	_ =	shalt  }
0x4f: {  	_ =	shalt  }
0x50: {  	_ =	shalt  }
0x51: {  	_ =	shalt  }
0x52: {  	_ =	shalt  }
0x53: {  	_ =	shalt  }
0x54: {  	_ =	shalt  }
0x55: {  	_ =	shalt  }
0x56: {  	_ =	shalt  }
0x57: {  	_ =	shalt  }
0x58: {  	_ =	shalt  }
0x59: {  	_ =	shalt  }
0x5a: {  	_ =	shalt  }
0x5b: {  	_ =	shalt  }
0x5c: {  	_ =	shalt  }
0x5d: {  	_ =	shalt  }
0x5e: {  	_ =	shalt  }
0x5f: {  	_ =	shalt  }
0x60: {  	_ =	shalt  }
0x61: {  	_ =	shalt  }
0x62: {  	_ =	shalt  }
0x63: {  	_ =	shalt  }
0x64: {  	_ =	shalt  }
0x65: {  	_ =	shalt  }
0x66: {  	_ =	shalt  }
0x67: {  	_ =	shalt  }
0x68: {  	_ =	shalt  }
0x69: {  	_ =	shalt  }
0x6a: {  	_ =	shalt  }
0x6b: {  	_ =	shalt  }
0x6c: {  	_ =	shalt  }
0x6d: {  	_ =	shalt  }
0x6e: {  	_ =	shalt  }
0x6f: {  	_ =	shalt  }
0x70: {  	_ =	shalt  }
0x71: {  	_ =	shalt  }
0x72: {  	_ =	shalt  }
0x73: {  	_ =	shalt  }
0x74: {  	_ =	shalt  }
0x75: {  	_ =	shalt  }
0x76: {  	_ =	shalt  }
0x77: {  	_ =	shalt  }
0x78: {  	_ =	shalt  }
0x79: {  	_ =	shalt  }
0x7a: {  	_ =	shalt  }
0x7b: {  	_ =	shalt  }
0x7c: {  	_ =	shalt  }
0x7d: {  	_ =	shalt  }
0x7e: {  	_ =	shalt  }
0x7f: {  	_ =	shalt  }
0x80: {  	_ =	shalt  }
0x81: {  	_ =	shalt  }
0x82: {  	_ =	shalt  }
0x83: {  	_ =	shalt  }
0x84: {  	_ =	shalt  }
0x85: {  	_ =	shalt  }
0x86: {  	_ =	shalt  }
0x87: {  	_ =	shalt  }
.Lfunc_end0:
.L_simem_size_0:
called_computation_lowered:
.L_overlay_start_0:
0x88: {  	s2 =	sld [smem:$0x3FD9]  }
0x89: {  	s3 =	sld [smem:$0x3FFE];
	_ =	sdelay $0x1  }
0x8a: {  	s1 =	srdreg.scid  }
0x8b: {  	s0 =	sand.u32 $0x1, s1  }
0x8c: {  	s17 =	sshll.u32 s0, $0xA;
	s2 =	sadd.s32 s3, s2  }
0x8d: {  	s2 =	sadd.s32 s2, s17  }
0x8e: {  	[smem:$0x3FB9] =	sst s2  }
0x8f: {  	_ = 	snop  }
0x90: {  	s2 =	sld [smem:$0x3FC8]  }
0x91: {  	s18 =	sld [smem:$0x3FC7]  }
0x92: {  	s4 =	sld [smem:$0x3FD0];
	(tm) =	ssettm $0x1  }
0x93: {  	s5 =	sld [smem:$0x3FFB];
	_ =	sdelay $0x3  }
0x94: {  	_ =	strace s5  }
0x95: {  	s5 =	sld [smem:$0x3FFC];
	_ =	sdelay $0x3  }
0x96: {  	_ =	strace s5  }
0x97: {  	s5 =	sld [smem:$0x3FFD];
	_ =	sdelay $0x3  }
0x98: {  	_ =	strace s5  }
0x99: {  	_ =	strace $0x8FFFFFFF  }
0x9a: {  	s19 =	sld [smem:$0x3FDB];
	_ =	sdelay $0x1  }
0x9b: {  	s6 =	simm.s32 $_scs_section_size  }
0x9c: {  	s7 =	simm.s32 $_size__tile_overlayer_lowered;
	s8 =	simm.s32 $_tile_overlayer_lowered  }
0x9d: {  	s22 =	simm.s32 $0x1BFF;
	s21 =	sshll.u32 s8, $0x1;
	s5 =	sadd.s32 s6, s19  }
0x9e: {  	s9 =	simm.s32 $0x0;
	s20 =	sshll.u32 s7, $0x1;
	s7 =	sadd.s32 s21, s5  }
0x9f: {  	[timem:s9], [sflag:s22] =	dma.local [hbm:s7], s20  }
0xa0: {  	_ =	swait.ge [sflag:s22], s20  }
0xa1: {  	s6 =	ssub.s32 $0x0, s20;
	[sflag:s22] =	ssyncset.done $0x0  }
0xa2: {  	[sflag:s22] =	ssyncadd.s32 s6;
	_ =	sdelay $0x1  }
0xa3: {  	s23 =	simm.s32 $0x1B8B  }
0xa4: {  	_ =	swait.ge [sflag:s23], $0x1  }
0xa5: {  	[sflag:s23] =	ssyncset.done $0x0  }
0xa6: {  	s25 =	simm.s32 $0x1B8E;
	s24 =	sld [smem:$0x3FFE];
	[sflag:s23] =	ssyncadd.s32 $0xFFFFFFFF  }
0xa7: {  	s26 =	simm.s32 $execute0_lowered;
	[smem:$0x3FD2] =	sst s25  }
0xa8: {  	s7 =	sshll.u32 s26, $0x1;
	_ =	strace $0x80000046;
	[dreg:$0x1] =	wrdreg $0xFFFFFFFF  }
0xa9: {  	s28 =	simm.s32 $_size_execute0_lowered;
	s5 =	sadd.s32 s5, s7;
	[dreg:$0x0] =	wrdreg $0x0  }
0xaa: {  	s7 =	sshll.u32 s28, $0x1;
	[dreg:$0x2] =	wrdreg s5  }
0xab: {  	[dreg:$0x3] =	wrdreg s7  }
0xac: {  	[dreg:$0x4] =	wrdreg $0xC0  }
0xad: {  	_ =	task [dreg:s9], $0x5FFFF  }
0xae: {  	[dreg:$0x1] =	wrdreg $0xFFFFFFFF  }
0xaf: {  	[dreg:$0x0] =	wrdreg $0x60  }
0xb0: {  	[dreg:$0x2] =	wrdreg s2  }
0xb1: {  	[dreg:$0x3] =	wrdreg s18  }
0xb2: {  	[dreg:$0x4] =	wrdreg s4  }
0xb3: {  	[dreg:$0x5] =	wrdreg s24  }
0xb4: {  	[dreg:$0x6] =	wrdreg $0x9  }
0xb5: {  	_ =	task.clear_ibuf [dreg:s9], $0x7FFFF;
	_ =	strace $0x90000046  }
0xb6: {  	s29 =	simm.s32 $0x9;
	_ =	strace $0x80000048  }
0xb7: {  	_ =	swait.ge [sflag:s29], $0x1  }
0xb8: {  	[sflag:s29] =	ssyncadd.s32 $0xFFFFFFFF  }
0xb9: {  	_ =	strace $0x90000048  }
0xba: {  	_ =	sfence  }
0xbb: {  	s30 =	sld [smem:$0x0];
	_ =	sdelay $0x2  }
0xbc: {  	s31 =	sshll.u32 s1, $0xD;
	s1 =	sshrl.u32 s1, $0x2  }
0xbd: {  	s3 =	sand.u32 $0x4000, s31;
	s1 =	sadd.s32 s1, s30  }
0xbe: {  	s0 =	sor.u32 s3, s0;
	s1 =	sshll.u32 s1, $0x11  }
0xbf: {  	s0 =	sor.u32 s1, s0  }
0xc0: {  	s0 =	sadd.s32 $0x8F2B, s0  }
0xc1: {  	[sflag:s0] =	ssyncadd.remote.s32 $0x1  }
0xc2: {  	_ =	sfence.sel $0xFFFF  }
0xc3: {  	[dreg:$0x0] =	wrdreg $0xFFFFFFFF;
	(pc) =	sbr.abs _section_cstart, $3  }
0xc4: {  	[dreg:$0x1] =	wrdreg $0xFFFFFFFF  }
0xc5: {  	_ =	task.clear_ibuf [dreg:s9], $0x2FFFF;
	_ =	strace $0x9FFFFFFF  }
0xc6: {  	(tm) =	ssettm $0x7FFFFFFF  }
0xc7: {  	_ =	shalt  }
tec
execute0_lowered:
.L_overlay_start_1:
0x0: {  	(tag) =	ssettag $0x1  }
0x1: {  	s1 =	rddreg [dreg:$0x0]  }
0x2: {  	s2 =	rddreg [dreg:$0x1]  }
0x3: {  	s4 =	rddreg [dreg:$0x2]  }
0x4: {  	s3 =	srdreg.scid;
	s6 =	rddreg [dreg:$0x3]  }
0x5: {  	[dreg:$0x5] =	wrdreg s2;
	s26 =	sand.u32 $0x1, s3;
	s3 =	simm.s32 $0x0  }
0x6: {  	s11 =	simm.s32 $0x880;
	[smem:$0x7FF] =	sst s3  }
0x7: {  	s12 =	simm.s32 $0x1080;
	_ =	strace $0x80000047;
	[dreg:$0x9] =	wrdreg s11  }
0x8: {  	s13 =	simm.s32 $0x1480;
	[dreg:$0xa] =	wrdreg s12  }
0x9: {  	s14 =	simm.s32 $0x1C80;
	[dreg:$0xb] =	wrdreg s13  }
0xa: {  	s0 =	stileid.u32;
	s15 =	simm.s32 $0x2480;
	[dreg:$0xc] =	wrdreg s14  }
0xb: {  	s16 =	simm.s32 $0x2880;
	s17 =	simm.s32 $0x3080;
	[dreg:$0xd] =	wrdreg s15  }
0xc: {  	s18 =	simm.s32 $0x3880;
	s20 =	simm.s32 $0x3C80;
	[dreg:$0xe] =	wrdreg s16  }
0xd: {  	s21 =	simm.s32 $0x4480;
	s22 =	simm.s32 $0x4C80;
	[dreg:$0xf] =	wrdreg s17  }
0xe: {  	s23 =	simm.s32 $0x5080;
	s24 =	simm.s32 $0x5880;
	[dreg:$0x10] =	wrdreg s18  }
0xf: {  	s25 =	simm.s32 $0x6080;
	s28 =	simm.s32 $0xE480;
	[dreg:$0x11] =	wrdreg s20  }
0x10: {  	s29 =	simm.s32 $0xEC80;
	s30 =	simm.s32 $0x1;
	[dreg:$0x12] =	wrdreg s21  }
0x11: {  	s31 =	simm.s32 $0x60;
	s8 =	sshll.u32 s0, $0x1;
	[dreg:$0x13] =	wrdreg s22  }
0x12: {  	s5 =	sor.u32 s26, s8;
	s2 =	ssub.s32 $0x2, s26;
	[dreg:$0x14] =	wrdreg s23  }
0x13: {  	s8 =	simm.s32 $0x80;
	s7 =	smul.u32 $0x1E00, s5;
	[dreg:$0x15] =	wrdreg s24  }
0x14: {  	s26 =	simm.s32 $0x6480;
	s5 =	smul.u32 $0xC, s5;
	[dreg:$0x16] =	wrdreg s25  }
0x15: {  	s19 =	sshrl.u32 s2, $0x1;
	[dreg:$0x17] =	wrdreg s26;
	s11 =	simm.s32 $0x7880  }
0x16: {  	s12 =	simm.s32 $0x8080;
	s13 =	simm.s32 $0x8880;
	s14 =	simm.s32 $0x8C80  }
0x17: {  	s15 =	simm.s32 $0x9480;
	s16 =	simm.s32 $0x9C80;
	s17 =	simm.s32 $0xA080  }
0x18: {  	s18 =	simm.s32 $0xA880;
	s20 =	simm.s32 $0xB480;
	s21 =	simm.s32 $0xBC80  }
0x19: {  	s22 =	simm.s32 $0xC480;
	s23 =	simm.s32 $0xC880;
	s24 =	simm.s32 $0xD080  }
0x1a: {  	s25 =	simm.s32 $0xD880;
	s26 =	simm.s32 $0xDC80;
	s2 =	ssub.s32 s2, s19  }
0x1b: {  	s19 =	simm.s32 $0xB080;
	s7 =	sadd.s32 s7, s6;
	s4 =	sadd.s32 s4, s5  }
0x1c: {  	s5 =	sadd.s32 s5, s6;
	s6 =	smax.u32 s2, $0x1;
	s2 =	simm.s32 $0xF080  }
0x1d: {  	v2 =	vlaneseq.u32;
	[dreg:$0x6] =	wrdreg s4;
	s9 =	sadd.s32 $0x6600, s7;
	s10 =	sadd.s32 $0x6400, s5  }
0x1e: {  	vm0 =	vmmov $0xffff;
	vm1 =	vmmov $0xff;
	v1 =	vshrl.u32 v2, $0x3;
	s4 =	sadd.s32 $0x100, s1;
	s5 =	sadd.s32 $0x200, s1;
	[dreg:$0x7] =	wrdreg s9  }
0x1f: {  	v0 =	vand.u32 $0x7, v2;
	v2 =	vor.u32 $0x8, v2;
	v1 =	vmul.u32 $0x8, v1;
	s7 =	simm.s32 $0x2;
	[dreg:$0x8] =	wrdreg s10;
	s10 =	simm.s32 $0x7480  }
.LBB2_1:
0x20: {  	s0 =	rddreg [dreg:$0x6]  }
0x21: {  	[tilespmem:s3], [sflag:$0x2] =	stream.linear.gather [hbm4b:s0+s3], $0x60, $0x38;
	[tilespmem:$0xF100] =	vst v63  }
0x22: {  	_ =	swait.ge [sflag:s7], $0x60  }
0x23: {  	[sflag:s7] =	ssyncset.done $0x0  }
0x24: {  	[sflag:s7] =	ssyncadd.s32 $0xFFFFFFA0  }
0x25: {  	v3 =	vld [tilespmem:$0x0];
	_ =	sdelay $0x4  }
0x26: {  	v4 =	vshrl.u32 v3, $0x3  }
0x27: {  	v4 =	vmul.u32 $0x28, v4  }
0x28: {  	v3 =	vand.u32 $0x7, v3  }
0x29: {  	v3 =	vor.u32 v3, v4  }
0x2a: {  	v4 =	vperm.xlane v3, v0;
	_ =	sdelay $0x1  }
0x2b: {  	v4 =	vadd.s32 v1, v4;
	_ =	sdelay $0x3  }
0x2c: {  	v3 =	vperm.xlane v3, v2  }
0x2d: {  	[tilespmem:s8], [sflag:$0x1] =	stream.indirect_vreg.gather [hbm4b:s1+s3], $0x80, v4, vm0, $0xb8;
	[tilespmem:$0xF100] =	vst v63  }
0x2e: {  	s0 =	rddreg [dreg:$0x9];
	v3 =	vadd.s32 v1, v3  }
0x2f: {  	[tilespmem:s0], [sflag:$0x1] =	stream.indirect_vreg.gather [hbm4b:s4+s3], $0x80, v4, vm0, $0xb8;
	[tilespmem:$0xF100] =	vst v63  }
0x30: {  	s9 =	rddreg [dreg:$0xa]  }
0x31: {  	[tilespmem:s9], [sflag:$0x1] =	stream.indirect_vreg.gather [hbm4b:s5+s3], $0x80, v4, vm1, $0xb8;
	[tilespmem:$0xF100] =	vst v63  }
0x32: {  	s0 =	rddreg [dreg:$0xb]  }
0x33: {  	[tilespmem:s0], [sflag:$0x1] =	stream.indirect_vreg.gather [hbm4b:s1+s3], $0x80, v3, vm0, $0xb8;
	[tilespmem:$0xF100] =	vst v63  }
0x34: {  	s9 =	rddreg [dreg:$0xc]  }
0x35: {  	[tilespmem:s9], [sflag:$0x1] =	stream.indirect_vreg.gather [hbm4b:s4+s3], $0x80, v3, vm0, $0xb8;
	[tilespmem:$0xF100] =	vst v63  }
0x36: {  	s0 =	rddreg [dreg:$0xd]  }
0x37: {  	[tilespmem:s0], [sflag:$0x1] =	stream.indirect_vreg.gather [hbm4b:s5+s3], $0x80, v3, vm1, $0xb8;
	[tilespmem:$0xF100] =	vst v63  }
0x38: {  	v3 =	vld [tilespmem:$0x10];
	_ =	sdelay $0x4  }
0x39: {  	v59 =	vshrl.u32 v3, $0x3  }
0x3a: {  	v4 =	vmul.u32 $0x28, v59  }
0x3b: {  	v3 =	vand.u32 $0x7, v3  }
0x3c: {  	v3 =	vor.u32 v3, v4  }
0x3d: {  	v4 =	vperm.xlane v3, v0;
	_ =	sdelay $0x1  }
0x3e: {  	v4 =	vadd.s32 v1, v4;
	_ =	sdelay $0x3  }
0x3f: {  	s0 =	rddreg [dreg:$0xe];
	v3 =	vperm.xlane v3, v2  }
0x40: {  	[tilespmem:s0], [sflag:$0x1] =	stream.indirect_vreg.gather [hbm4b:s1+s3], $0x80, v4, vm0, $0xb8;
	[tilespmem:$0xF100] =	vst v63  }
0x41: {  	s9 =	rddreg [dreg:$0xf];
	v3 =	vadd.s32 v1, v3  }
0x42: {  	[tilespmem:s9], [sflag:$0x1] =	stream.indirect_vreg.gather [hbm4b:s4+s3], $0x80, v4, vm0, $0xb8;
	[tilespmem:$0xF100] =	vst v63  }
0x43: {  	s0 =	rddreg [dreg:$0x10]  }
0x44: {  	[tilespmem:s0], [sflag:$0x1] =	stream.indirect_vreg.gather [hbm4b:s5+s3], $0x80, v4, vm1, $0xb8;
	[tilespmem:$0xF100] =	vst v63  }
0x45: {  	s9 =	rddreg [dreg:$0x11]  }
0x46: {  	[tilespmem:s9], [sflag:$0x1] =	stream.indirect_vreg.gather [hbm4b:s1+s3], $0x80, v3, vm0, $0xb8;
	[tilespmem:$0xF100] =	vst v63  }
0x47: {  	s0 =	rddreg [dreg:$0x12]  }
0x48: {  	[tilespmem:s0], [sflag:$0x1] =	stream.indirect_vreg.gather [hbm4b:s4+s3], $0x80, v3, vm0, $0xb8;
	[tilespmem:$0xF100] =	vst v63  }
0x49: {  	s9 =	rddreg [dreg:$0x13]  }
0x4a: {  	[tilespmem:s9], [sflag:$0x1] =	stream.indirect_vreg.gather [hbm4b:s5+s3], $0x80, v3, vm1, $0xb8;
	[tilespmem:$0xF100] =	vst v63  }
0x4b: {  	v3 =	vld [tilespmem:$0x20];
	_ =	sdelay $0x4  }
0x4c: {  	v60 =	vshrl.u32 v3, $0x3  }
0x4d: {  	v4 =	vmul.u32 $0x28, v60  }
0x4e: {  	v3 =	vand.u32 $0x7, v3  }
0x4f: {  	v3 =	vor.u32 v3, v4  }
0x50: {  	v4 =	vperm.xlane v3, v0;
	_ =	sdelay $0x1  }
0x51: {  	v4 =	vadd.s32 v1, v4;
	_ =	sdelay $0x3  }
0x52: {  	s0 =	rddreg [dreg:$0x14];
	v3 =	vperm.xlane v3, v2  }
0x53: {  	[tilespmem:s0], [sflag:$0x1] =	stream.indirect_vreg.gather [hbm4b:s1+s3], $0x80, v4, vm0, $0xb8;
	[tilespmem:$0xF100] =	vst v63  }
0x54: {  	s9 =	rddreg [dreg:$0x15];
	v3 =	vadd.s32 v1, v3  }
0x55: {  	[tilespmem:s9], [sflag:$0x1] =	stream.indirect_vreg.gather [hbm4b:s4+s3], $0x80, v4, vm0, $0xb8;
	[tilespmem:$0xF100] =	vst v63  }
0x56: {  	s0 =	rddreg [dreg:$0x16]  }
0x57: {  	[tilespmem:s0], [sflag:$0x1] =	stream.indirect_vreg.gather [hbm4b:s5+s3], $0x80, v4, vm1, $0xb8;
	[tilespmem:$0xF100] =	vst v63  }
0x58: {  	s9 =	rddreg [dreg:$0x17]  }
0x59: {  	[tilespmem:s9], [sflag:$0x1] =	stream.indirect_vreg.gather [hbm4b:s1+s3], $0x80, v3, vm0, $0xb8;
	[tilespmem:$0xF100] =	vst v63  }
0x5a: {  	s9 =	simm.s32 $0x6C80  }
0x5b: {  	[tilespmem:s9], [sflag:$0x1] =	stream.indirect_vreg.gather [hbm4b:s4+s3], $0x80, v3, vm0, $0xb8;
	[tilespmem:$0xF100] =	vst v63  }
0x5c: {  	_ = 	snop  }
0x5d: {  	[tilespmem:s10], [sflag:$0x1] =	stream.indirect_vreg.gather [hbm4b:s5+s3], $0x80, v3, vm1, $0xb8;
	[tilespmem:$0xF100] =	vst v63  }
0x5e: {  	v3 =	vld [tilespmem:$0x30];
	_ =	sdelay $0x4  }
0x5f: {  	v61 =	vshrl.u32 v3, $0x3  }
0x60: {  	v4 =	vmul.u32 $0x28, v61  }
0x61: {  	v3 =	vand.u32 $0x7, v3  }
0x62: {  	v3 =	vor.u32 v3, v4  }
0x63: {  	v4 =	vperm.xlane v3, v0;
	_ =	sdelay $0x1  }
0x64: {  	v4 =	vadd.s32 v1, v4;
	_ =	sdelay $0x3  }
0x65: {  	v3 =	vperm.xlane v3, v2  }
0x66: {  	[tilespmem:s11], [sflag:$0x1] =	stream.indirect_vreg.gather [hbm4b:s1+s3], $0x80, v4, vm0, $0xb8;
	[tilespmem:$0xF100] =	vst v63  }
0x67: {  	v3 =	vadd.s32 v1, v3  }
0x68: {  	[tilespmem:s12], [sflag:$0x1] =	stream.indirect_vreg.gather [hbm4b:s4+s3], $0x80, v4, vm0, $0xb8;
	[tilespmem:$0xF100] =	vst v63  }
0x69: {  	_ = 	snop  }
0x6a: {  	[tilespmem:s13], [sflag:$0x1] =	stream.indirect_vreg.gather [hbm4b:s5+s3], $0x80, v4, vm1, $0xb8;
	[tilespmem:$0xF100] =	vst v63  }
0x6b: {  	_ = 	snop  }
0x6c: {  	[tilespmem:s14], [sflag:$0x1] =	stream.indirect_vreg.gather [hbm4b:s1+s3], $0x80, v3, vm0, $0xb8;
	[tilespmem:$0xF100] =	vst v63  }
0x6d: {  	_ = 	snop  }
0x6e: {  	[tilespmem:s15], [sflag:$0x1] =	stream.indirect_vreg.gather [hbm4b:s4+s3], $0x80, v3, vm0, $0xb8;
	[tilespmem:$0xF100] =	vst v63  }
0x6f: {  	_ = 	snop  }
0x70: {  	[tilespmem:s16], [sflag:$0x1] =	stream.indirect_vreg.gather [hbm4b:s5+s3], $0x80, v3, vm1, $0xb8;
	[tilespmem:$0xF100] =	vst v63  }
0x71: {  	v3 =	vld [tilespmem:$0x40];
	_ =	sdelay $0x4  }
0x72: {  	v62 =	vshrl.u32 v3, $0x3  }
0x73: {  	v4 =	vmul.u32 $0x28, v62  }
0x74: {  	v3 =	vand.u32 $0x7, v3  }
0x75: {  	v3 =	vor.u32 v3, v4  }
0x76: {  	v4 =	vperm.xlane v3, v0;
	_ =	sdelay $0x1  }
0x77: {  	v4 =	vadd.s32 v1, v4;
	_ =	sdelay $0x3  }
0x78: {  	v3 =	vperm.xlane v3, v2  }
0x79: {  	[tilespmem:s17], [sflag:$0x1] =	stream.indirect_vreg.gather [hbm4b:s1+s3], $0x80, v4, vm0, $0xb8;
	[tilespmem:$0xF100] =	vst v63  }
0x7a: {  	v3 =	vadd.s32 v1, v3  }
0x7b: {  	[tilespmem:s18], [sflag:$0x1] =	stream.indirect_vreg.gather [hbm4b:s4+s3], $0x80, v4, vm0, $0xb8;
	[tilespmem:$0xF100] =	vst v63  }
0x7c: {  	_ = 	snop  }
0x7d: {  	[tilespmem:s19], [sflag:$0x1] =	stream.indirect_vreg.gather [hbm4b:s5+s3], $0x80, v4, vm1, $0xb8;
	[tilespmem:$0xF100] =	vst v63  }
0x7e: {  	_ = 	snop  }
0x7f: {  	[tilespmem:s20], [sflag:$0x1] =	stream.indirect_vreg.gather [hbm4b:s1+s3], $0x80, v3, vm0, $0xb8;
	[tilespmem:$0xF100] =	vst v63  }
0x80: {  	_ = 	snop  }
0x81: {  	[tilespmem:s21], [sflag:$0x1] =	stream.indirect_vreg.gather [hbm4b:s4+s3], $0x80, v3, vm0, $0xb8;
	[tilespmem:$0xF100] =	vst v63  }
0x82: {  	_ = 	snop  }
0x83: {  	[tilespmem:s22], [sflag:$0x1] =	stream.indirect_vreg.gather [hbm4b:s5+s3], $0x80, v3, vm1, $0xb8;
	[tilespmem:$0xF100] =	vst v63  }
0x84: {  	v3 =	vld [tilespmem:$0x50];
	_ =	sdelay $0x4  }
0x85: {  	v63 =	vshrl.u32 v3, $0x3  }
0x86: {  	v4 =	vmul.u32 $0x28, v63  }
0x87: {  	v3 =	vand.u32 $0x7, v3  }
0x88: {  	v3 =	vor.u32 v3, v4  }
0x89: {  	v4 =	vperm.xlane v3, v0;
	_ =	sdelay $0x1  }
0x8a: {  	v4 =	vadd.s32 v1, v4;
	_ =	sdelay $0x3  }
0x8b: {  	v3 =	vperm.xlane v3, v2  }
0x8c: {  	[tilespmem:s23], [sflag:$0x1] =	stream.indirect_vreg.gather [hbm4b:s1+s3], $0x80, v4, vm0, $0xb8;
	[tilespmem:$0xF100] =	vst v63  }
0x8d: {  	v3 =	vadd.s32 v1, v3  }
0x8e: {  	[tilespmem:s24], [sflag:$0x1] =	stream.indirect_vreg.gather [hbm4b:s4+s3], $0x80, v4, vm0, $0xb8;
	[tilespmem:$0xF100] =	vst v63  }
0x8f: {  	_ = 	snop  }
0x90: {  	[tilespmem:s25], [sflag:$0x1] =	stream.indirect_vreg.gather [hbm4b:s5+s3], $0x80, v4, vm1, $0xb8;
	[tilespmem:$0xF100] =	vst v63  }
0x91: {  	_ = 	snop  }
0x92: {  	[tilespmem:s26], [sflag:$0x1] =	stream.indirect_vreg.gather [hbm4b:s1+s3], $0x80, v3, vm0, $0xb8;
	[tilespmem:$0xF100] =	vst v63  }
0x93: {  	_ = 	snop  }
0x94: {  	[tilespmem:s28], [sflag:$0x1] =	stream.indirect_vreg.gather [hbm4b:s4+s3], $0x80, v3, vm0, $0xb8;
	[tilespmem:$0xF100] =	vst v63  }
0x95: {  	_ = 	snop  }
0x96: {  	[tilespmem:s29], [sflag:$0x1] =	stream.indirect_vreg.gather [hbm4b:s5+s3], $0x80, v3, vm1, $0xb8;
	[tilespmem:$0xF100] =	vst v63  }
0x97: {  	_ =	swait.ge [sflag:s30], $0xF000  }
0x98: {  	[sflag:s30] =	ssyncset.done $0x0  }
0x99: {  	s9 =	rddreg [dreg:$0x7];
	[sflag:s30] =	ssyncadd.s32 $0xFFFF1000  }
0x9a: {  	[hbm4b:s9+s3] =	stream.linear.scatter [tilespmem:s8], [sflag:$0x2], $0xF000, $0x38;
	[tilespmem:$0xF100] =	vst v63  }
0x9b: {  	_ =	swait.ge [sflag:s7], $0xF000  }
0x9c: {  	[sflag:s7] =	ssyncset.done $0x0  }
0x9d: {  	s9 =	rddreg [dreg:$0x5];
	[sflag:s7] =	ssyncadd.s32 $0xFFFF1000  }
0x9e: {  	[tilespmem:s2], [sflag:$0x1] =	stream.indirect.gather [hbm4b:s9+s31], $0x1, s3, s31, $0xb8;
	[tilespmem:$0xF100] =	vst v63  }
0x9f: {  	_ =	swait.ge [sflag:s30], $0x60  }
0xa0: {  	p0 =	sne.s32 s6, $0x1;
	[sflag:s30] =	ssyncset.done $0x0  }
.Ltmp0:
0xa1: {  	s9 =	rddreg [dreg:$0x8];
	[sflag:s30] =	ssyncadd.s32 $0xFFFFFFA0;
	(pc) =	sbr.rel @p0 .LBB2_1-.Ltmp0, $4  }
0xa2: {  	[hbm4b:s9+s3] =	stream.linear.scatter [tilespmem:s2], [sflag:$0x2], $0x60, $0x38;
	[tilespmem:$0xF100] =	vst v63  }
0xa3: {  	_ =	swait.ge [sflag:s7], $0x60  }
0xa4: {  	[sflag:s7] =	ssyncset.done $0x0  }
0xa5: {  	s6 =	sadd.s32 $0xFFFFFFFF, s6;
	[sflag:s7] =	ssyncadd.s32 $0xFFFFFFA0  }
0xa6: {  	_ =	sfence.sel $0x180000  }
0xa7: {  	[bflag:$0x0] =	sbarrier.arrive $0xFFFF  }
0xa8: {  	_ =	strace $0x90000047  }
0xa9: {  	s0 =	stileid.u32;
	[bflag:$0x2] =	sbarrier.arrive $0xFFFF  }
0xaa: {  	p0 =	sne.s32 s0, $0x0;
	s0 =	rddreg [dreg:$0x4]  }
0xab: {  	s0 =	sadd.s32 @!p0 $0x100000, s0  }
0xac: {  	[sflag:s0] =	ssyncadd.tile.s32 @!p0 $0x1;
	_ =	shalt  }
.Lfunc_end2:
_tile_overlayer_lowered:
.L_overlay_start_2:
0xad: {  	(tag) =	ssettag $0x2  }
0xae: {  	s0 =	rddreg [dreg:$0x0];
	s2 =	stileid.u32  }
0xaf: {  	s1 =	rddreg [dreg:$0x1];
	p0 =	sne.s32 s2, $0x0  }
0xb0: {  	s3 =	rddreg [dreg:$0x2];
	[bflag:$0x3] =	sbarrier.arrive $0xFFFF;
	s2 =	simm.s32 @!p0 $0x1C02  }
0xb1: {  	[timem:s3], [sflag:s2] =	dma.local @!p0 [hbm:s0], s1  }
0xb2: {  	s0 =	simm.s32 @!p0 $0x2  }
0xb3: {  	_ =	swait.ge @!p0 [sflag:s0], s1  }
0xb4: {  	s1 =	ssub.s32 @!p0 $0x0, s1;
	[sflag:s0] =	ssyncset.done @!p0 $0x0  }
0xb5: {  	[sflag:s0] =	ssyncadd.s32 @!p0 s1  }
0xb6: {  	[bflag:$0x3] =	sbarrier.arrive $0xFFFF  }
0xb7: {  	_ =	shalt  }

</sc_bundles>
